<compile_context>
chip_gen: v7x
topology: tpu7x:2x2x1
jax: 0.10.2.dev20260603
libtpu: 0.0.44.dev20260713+nightly
codegen_flags: <defaults>
</compile_context>

<pallas_src>
import functools

import jax
import jax.numpy as jnp
import numpy as np
from jax import lax
from jax.experimental import pallas as pl
from jax.experimental.pallas import tpu as pltpu
from jax.experimental.pallas import tpu_sc as plsc

LX, LY, LZ = 50, 50, 40
N_CELLS = LX * LY * LZ
STATE_SIZE = 32
BATCH = 32768
MAX_NEIGHBORS = 26

NC, NS, LANES = 2, 16, 16
NW = NC * NS
BATCH_PER_W = BATCH // NW
CHUNK_B = 64
N_CHUNKS = BATCH_PER_W // CHUNK_B
P_CHUNK = CHUNK_B * MAX_NEIGHBORS
GROUPS = P_CHUNK // LANES
NB_GATHERS = P_CHUNK // 128
ROW_PITCH = 33
PAIRS = BATCH * MAX_NEIGHBORS

_INV_LXY = 1.0 / (LX * LY)
_INV_LX = 1.0 / LX


def _normalize_body(x_ref, o_ref):
    x = x_ref[...]
    n2 = jnp.sum(x * x, axis=1, keepdims=True)
    o_ref[...] = x * (1.0 / jnp.sqrt(n2 + 1e-12))


def _normalize_states(states):
    rows = states.shape[0]
    blk = 2000
    return pl.pallas_call(
        _normalize_body,
        grid=(rows // blk,),
        in_specs=[pl.BlockSpec((blk, STATE_SIZE), lambda i: (i, 0))],
        out_specs=pl.BlockSpec((blk, STATE_SIZE), lambda i: (i, 0)),
        out_shape=jax.ShapeDtypeStruct((rows, STATE_SIZE), jnp.float32),
    )(states)


def _classify_body(cell2d, nb2d, states_h, thr_h, out_h,
                   cellidx_v, nbidx2_v, crows_v, nrows_v,
                   thr_v, out4_v, sem):
    cid = lax.axis_index("c")
    sid = lax.axis_index("s")
    wid = sid * NC + cid

    pltpu.sync_copy(thr_h, thr_v)
    tv = thr_v[...]
    lt2v = jnp.full((LANES,), tv[0], jnp.float32)
    ft2v = jnp.full((LANES,), tv[1], jnp.float32)
    stv = jnp.full((LANES,), tv[2], jnp.float32)
    onev = jnp.full((LANES,), 1.0, jnp.float32)
    zerov = jnp.full((LANES,), 0.0, jnp.float32)
    lanes = lax.iota(jnp.int32, LANES)
    shfl_idx = [lax.bitwise_xor(lanes, k) for k in (1, 2, 4, 8)]
    shfl_msk = [(lax.bitwise_and(lanes, k) != 0) for k in (1, 2, 4, 8)]

    gdn = lax.GatherDimensionNumbers(offset_dims=(), collapsed_slice_dims=(0,),
                                     start_index_map=(0,))

    def shfl(v, idxv):
        return lax.gather(v, idxv[:, None], dimension_numbers=gdn,
                          slice_sizes=(1,),
                          mode=lax.GatherScatterMode.PROMISE_IN_BOUNDS)

    def reduce16(svecs):
        lvl = svecs
        for idxv, mk in zip(shfl_idx, shfl_msk):
            nxt = []
            for i in range(0, len(lvl), 2):
                sa = lvl[i] + shfl(lvl[i], idxv)
                sb = lvl[i + 1] + shfl(lvl[i + 1], idxv)
                nxt.append(jnp.where(mk, sb, sa))
            lvl = nxt
        return lvl[0]

    def decode(idx):
        f = idx.astype(jnp.float32)
        z = ((f + 0.5) * _INV_LXY).astype(jnp.int32)
        rem = idx - z * (LX * LY)
        y = ((rem.astype(jnp.float32) + 0.5) * _INV_LX).astype(jnp.int32)
        x = rem - y * LX
        return x, y, z

    def chunk_body(ci, carry):
        row = wid * N_CHUNKS + ci
        poff = (wid * BATCH_PER_W + ci * CHUNK_B) * MAX_NEIGHBORS

        pltpu.sync_copy(cell2d.at[row], cellidx_v)
        pltpu.sync_copy(nb2d.at[row], nbidx2_v)

        descs = [pltpu.async_copy(states_h.at[cellidx_v], crows_v, sem)]
        for g in range(NB_GATHERS):
            descs.append(pltpu.async_copy(
                states_h.at[nbidx2_v.at[g]],
                nrows_v.at[pl.ds(g * 128, 128)], sem))
        for d in descs:
            d.wait()

        def group_body(g, carry2):
            b0, r0 = carry2
            base = g * LANES
            svecs = []
            for j in range(LANES):
                p = base + j
                bj = b0 + (r0 + j >= MAX_NEIGHBORS).astype(jnp.int32)
                n0 = nrows_v[p, pl.ds(0, LANES)]
                n1 = nrows_v[p, pl.ds(LANES, LANES)]
                c0 = crows_v[bj, pl.ds(0, LANES)]
                c1 = crows_v[bj, pl.ds(LANES, LANES)]
                svecs.append(n0 * c0 + n1 * c1)
            simv = reduce16(svecs)

            grow = lax.shift_right_logical(g, 3)
            gcol = lax.shift_left(lax.rem(g, 8), 4)
            nidx = nbidx2_v[grow, pl.ds(gcol, LANES)]
            bvec = b0 + (r0 + lanes >= MAX_NEIGHBORS).astype(jnp.int32)
            cidx = plsc.load_gather(cellidx_v, [bvec])

            cx, cy, cz = decode(cidx)
            nx, ny, nz = decode(nidx)
            dx = cx - nx
            dy = cy - ny
            dz = cz - nz
            d2 = (dx * dx + dy * dy + dz * dz).astype(jnp.float32)

            valid = nidx >= 0
            local_m = valid & (d2 <= lt2v)
            func_m = valid & (d2 > lt2v) & (d2 <= ft2v) & (simv >= stv)
            dist_m = valid & (~local_m) & (~func_m)

            out4_v[0, pl.ds(base, LANES)] = jnp.where(local_m, onev, zerov)
            out4_v[1, pl.ds(base, LANES)] = jnp.where(func_m, onev, zerov)
            out4_v[2, pl.ds(base, LANES)] = jnp.where(dist_m, onev, zerov)
            out4_v[3, pl.ds(base, LANES)] = jnp.where(valid, simv, zerov)

            r1 = r0 + LANES
            wrap = (r1 >= MAX_NEIGHBORS).astype(jnp.int32)
            return (b0 + wrap, r1 - wrap * MAX_NEIGHBORS)

        lax.fori_loop(0, GROUPS, group_body,
                      (jnp.int32(0), jnp.int32(0)))

        for p in range(4):
            pltpu.sync_copy(out4_v.at[p], out_h.at[p, pl.ds(poff, P_CHUNK)])
        return carry

    lax.fori_loop(0, N_CHUNKS, chunk_body, 0)


@functools.partial(
    pl.kernel,
    out_type=jax.ShapeDtypeStruct((4, PAIRS), jnp.float32),
    mesh=plsc.VectorSubcoreMesh(core_axis_name="c", subcore_axis_name="s",
                                num_cores=NC, num_subcores=NS),
    scratch_types=[
        pltpu.VMEM((CHUNK_B,), jnp.int32),
        pltpu.VMEM((NB_GATHERS, 128), jnp.int32),
        pltpu.VMEM((CHUNK_B, STATE_SIZE), jnp.float32),
        pltpu.VMEM((P_CHUNK, STATE_SIZE), jnp.float32),
        pltpu.VMEM((16,), jnp.float32),
        pltpu.VMEM((4, P_CHUNK), jnp.float32),
        pltpu.SemaphoreType.DMA,
    ],
    compiler_params=pltpu.CompilerParams(needs_layout_passes=False,
                                         use_tc_tiling_on_sc=False),
)
def _classify(cell2d, nb2d, states_h, thr_h, out_h, *scratch):
    _classify_body(cell2d, nb2d, states_h, thr_h, out_h, *scratch)


def kernel(cell_indices, neighbor_indices, states,
           local_distance_threshold, functional_distance_threshold,
           distant_distance_threshold, functional_similarity_threshold):
    del distant_distance_threshold
    states_n = _normalize_states(states)

    cell2d = cell_indices.reshape(NW * N_CHUNKS, CHUNK_B)
    nb2d = neighbor_indices.reshape(NW * N_CHUNKS, NB_GATHERS, 128)
    thr = jnp.concatenate([
        jnp.stack([local_distance_threshold * local_distance_threshold,
                   functional_distance_threshold * functional_distance_threshold,
                   functional_similarity_threshold]).astype(jnp.float32),
        jnp.zeros((13,), jnp.float32),
    ])
    out = _classify(cell2d, nb2d, states_n, thr)
    return out.reshape(4, BATCH, MAX_NEIGHBORS)

# --- scband reference (transcript-rebuilt; emitter-appended) ---
"""Pipeline reference for scband-unified-connection-classifier-22419729285202 (READ-ONLY COPY).

The authoritative reference and input builder live on the scoring server;
editing this copy changes nothing except your own understanding.
"""

import jax, jax.numpy as jnp
import numpy as np

LX, LY, LZ = 50, 50, 40
N_CELLS = LX * LY * LZ
STATE_SIZE = 32
BATCH = 32768
MAX_NEIGHBORS = 26


def _to_coords(idx):
    x = idx % LX
    y = (idx // LX) % LY
    z = idx // (LX * LY)
    return jnp.stack([x, y, z], axis=-1).astype(jnp.float32)


def setup_inputs(seed: int = 0):
    key = jax.random.key(seed)
    k1, k2, k3 = jax.random.split(key, 3)
    return {
        "cell_indices": jax.random.randint(k1, (BATCH,), 0, N_CELLS, dtype=jnp.int32),
        "neighbor_indices": jax.random.randint(k2, (BATCH, MAX_NEIGHBORS), 0, N_CELLS, dtype=jnp.int32),
        "states": jax.random.normal(k3, (N_CELLS, STATE_SIZE), dtype=jnp.float32),
        "local_distance_threshold": jnp.float32(1.8),
        "functional_distance_threshold": jnp.float32(4.5),
        "distant_distance_threshold": jnp.float32(8.0),
        "functional_similarity_threshold": jnp.float32(0.3),
    }


def reference(cell_indices, neighbor_indices, states,
              local_distance_threshold, functional_distance_threshold,
              distant_distance_threshold, functional_similarity_threshold):
    batch, max_neighbors = neighbor_indices.shape
    # valid neighbor mask (padding convention: negative index == invalid)
    valid_mask = neighbor_indices >= 0
    safe_nb = jnp.where(valid_mask, neighbor_indices, 0)
    cells_b = jnp.broadcast_to(cell_indices[:, None], (batch, max_neighbors))

    # spatial analysis: euclidean distance between lattice coordinates
    c_coords = _to_coords(cells_b)
    n_coords = _to_coords(safe_nb)
    euclid = jnp.sqrt(jnp.sum((c_coords - n_coords) ** 2, axis=-1))

    # functional similarity: cosine similarity between cell states (gathers)
    s_cell = jnp.take(states, cells_b, axis=0)
    s_nb = jnp.take(states, safe_nb, axis=0)
    num = jnp.sum(s_cell * s_nb, axis=-1)
    denom = jnp.linalg.norm(s_cell, axis=-1) * jnp.linalg.norm(s_nb, axis=-1) + 1e-8
    sim = num / denom

    # tiered classification against learnable thresholds (binning into 3 histogram tiers)
    local_mask = valid_mask & (euclid <= local_distance_threshold)
    functional_mask = (valid_mask
                       & (euclid > local_distance_threshold)
                       & (euclid <= functional_distance_threshold)
                       & (sim >= functional_similarity_threshold))
    distant_mask = valid_mask & (~local_mask) & (~functional_mask) & (euclid <= distant_distance_threshold * jnp.inf if False else valid_mask)
    distant_mask = valid_mask & (~local_mask) & (~functional_mask)

    out = jnp.stack([
        local_mask.astype(jnp.float32),
        functional_mask.astype(jnp.float32),
        distant_mask.astype(jnp.float32),
        sim * valid_mask.astype(jnp.float32),
    ], axis=0)
    return out

if __name__ == "__main__":
    import jax
    _d = setup_inputs()
    print(jax.jit(kernel)(*tuple(_d.values())))

</pallas_src>

<mosaic_0001>
#map = affine_map<(d0, d1) -> (0, 0)>
#map1 = affine_map<(d0, d1) -> (0, 0, 0)>
#map2 = affine_map<(d0, d1) -> (0)>
module attributes {stable_mosaic.version = 14 : i64} {
  func.func @_classify(%arg0: i32, %arg1: i32, %arg2: memref<512x64xi32, #tpu.memory_space<hbm>>, %arg3: memref<512x13x128xi32, #tpu.memory_space<hbm>>, %arg4: memref<100000x32xf32, #tpu.memory_space<hbm>>, %arg5: memref<16xf32, #tpu.memory_space<hbm>>, %arg6: memref<4x851968xf32, #tpu.memory_space<hbm>>, %arg7: memref<64xi32, #tpu.memory_space<vmem>>, %arg8: memref<13x128xi32, #tpu.memory_space<vmem>>, %arg9: memref<64x32xf32, #tpu.memory_space<vmem>>, %arg10: memref<1664x32xf32, #tpu.memory_space<vmem>>, %arg11: memref<16xf32, #tpu.memory_space<vmem>>, %arg12: memref<4x1664xf32, #tpu.memory_space<vmem>>, %arg13: memref<!tpu.dma_semaphore, #tpu.memory_space<semaphore_mem>>) attributes {dimension_semantics = [#tpu.dimension_semantics<core_parallel>, #tpu.dimension_semantics<subcore_parallel>], iteration_bounds = array<i64: 2, 16>, scalar_prefetch = 0 : i64, scratch_operands = 7 : i64, tpu.core_type = #tpu.core_type<sc_vector_subcore>, window_params = [{transform_indices = #map}, {transform_indices = #map1}, {transform_indices = #map}, {transform_indices = #map2}, {transform_indices = #map}]} {
    %mul3A = arith.constant 2 : i32
    %mul3A_0 = arith.muli %arg1, %mul3A : i32
    %add3A = arith.addi %mul3A_0, %arg0 : i32
    "tpu.region"() ({
      %run_scoped3A = tpu.sem_alloc : memref<!tpu.dma_semaphore, #tpu.memory_space<semaphore_mem>>
      tpu.enqueue_dma source(%arg5 : memref<16xf32, #tpu.memory_space<hbm>>) target(%arg11 : memref<16xf32, #tpu.memory_space<vmem>>) target_semaphore(%run_scoped3A : memref<!tpu.dma_semaphore, #tpu.memory_space<semaphore_mem>>)
      tpu.wait_dma2 semaphore(%run_scoped3A : memref<!tpu.dma_semaphore, #tpu.memory_space<semaphore_mem>>) src(%arg5 : memref<16xf32, #tpu.memory_space<hbm>>) dst(%arg11 : memref<16xf32, #tpu.memory_space<vmem>>)
      tpu.yield
    }) : () -> ()
    %get3A = arith.constant 0 : index
    %get3A_1 = tpu.vector_load %arg11[%get3A] {strides = array<i32>} : memref<16xf32, #tpu.memory_space<vmem>>, vector<16xf32>,
    %slice3A = vector.extract_strided_slice %get3A_1 {offsets = [0], sizes = [1], strides = [1]} : vector<16xf32> to vector<1xf32>
    %squeeze3A = vector.extract %slice3A[0] : f32 from vector<1xf32>
    %broadcast_in_dim3A = vector.broadcast %squeeze3A : f32 to vector<16xf32>
    %slice3A_2 = vector.extract_strided_slice %get3A_1 {offsets = [1], sizes = [1], strides = [1]} : vector<16xf32> to vector<1xf32>
    %squeeze3A_3 = vector.extract %slice3A_2[0] : f32 from vector<1xf32>
    %broadcast_in_dim3A_4 = vector.broadcast %squeeze3A_3 : f32 to vector<16xf32>
    %slice3A_5 = vector.extract_strided_slice %get3A_1 {offsets = [2], sizes = [1], strides = [1]} : vector<16xf32> to vector<1xf32>
    %squeeze3A_6 = vector.extract %slice3A_5[0] : f32 from vector<1xf32>
    %broadcast_in_dim3A_7 = vector.broadcast %squeeze3A_6 : f32 to vector<16xf32>
    %broadcast_in_dim3A_8 = arith.constant 1.000000e+00 : f32
    %broadcast_in_dim3A_9 = vector.broadcast %broadcast_in_dim3A_8 : f32 to vector<16xf32>
    %broadcast_in_dim3A_10 = arith.constant 0.000000e+00 : f32
    %broadcast_in_dim3A_11 = vector.broadcast %broadcast_in_dim3A_10 : f32 to vector<16xf32>
    %iota3A = tpu.iota {dimensions = array<i32: 0>} : vector<16xi32>
    %xor3A = arith.constant 1 : i32
    %xor3A_12 = vector.broadcast %xor3A : i32 to vector<16xi32>
    %xor3A_13 = arith.xori %iota3A, %xor3A_12 : vector<16xi32>
    %xor3A_14 = arith.constant 2 : i32
    %xor3A_15 = vector.broadcast %xor3A_14 : i32 to vector<16xi32>
    %xor3A_16 = arith.xori %iota3A, %xor3A_15 : vector<16xi32>
    %xor3A_17 = arith.constant 4 : i32
    %xor3A_18 = vector.broadcast %xor3A_17 : i32 to vector<16xi32>
    %xor3A_19 = arith.xori %iota3A, %xor3A_18 : vector<16xi32>
    %xor3A_20 = arith.constant 8 : i32
    %xor3A_21 = vector.broadcast %xor3A_20 : i32 to vector<16xi32>
    %xor3A_22 = arith.xori %iota3A, %xor3A_21 : vector<16xi32>
    %and3A = arith.constant 1 : i32
    %and3A_23 = vector.broadcast %and3A : i32 to vector<16xi32>
    %and3A_24 = arith.andi %iota3A, %and3A_23 : vector<16xi32>
    %ne3A = arith.constant 0 : i32
    %ne3A_25 = vector.broadcast %ne3A : i32 to vector<16xi32>
    %ne3A_26 = arith.cmpi ne, %and3A_24, %ne3A_25 : vector<16xi32>
    %and3A_27 = arith.constant 2 : i32
    %and3A_28 = vector.broadcast %and3A_27 : i32 to vector<16xi32>
    %and3A_29 = arith.andi %iota3A, %and3A_28 : vector<16xi32>
    %ne3A_30 = arith.constant 0 : i32
    %ne3A_31 = vector.broadcast %ne3A_30 : i32 to vector<16xi32>
    %ne3A_32 = arith.cmpi ne, %and3A_29, %ne3A_31 : vector<16xi32>
    %and3A_33 = arith.constant 4 : i32
    %and3A_34 = vector.broadcast %and3A_33 : i32 to vector<16xi32>
    %and3A_35 = arith.andi %iota3A, %and3A_34 : vector<16xi32>
    %ne3A_36 = arith.constant 0 : i32
    %ne3A_37 = vector.broadcast %ne3A_36 : i32 to vector<16xi32>
    %ne3A_38 = arith.cmpi ne, %and3A_35, %ne3A_37 : vector<16xi32>
    %and3A_39 = arith.constant 8 : i32
    %and3A_40 = vector.broadcast %and3A_39 : i32 to vector<16xi32>
    %and3A_41 = arith.andi %iota3A, %and3A_40 : vector<16xi32>
    %ne3A_42 = arith.constant 0 : i32
    %ne3A_43 = vector.broadcast %ne3A_42 : i32 to vector<16xi32>
    %ne3A_44 = arith.cmpi ne, %and3A_41, %ne3A_43 : vector<16xi32>
    %scan3A = arith.constant 0 : i32
    %scan3A_45 = arith.constant 0 : i32
    %scan3A_46 = arith.constant 16 : i32
    %scan3A_47 = arith.addi %scan3A_45, %scan3A_46 : i32
    %scan3A_48 = arith.constant 1 : i32
    scf.for %scan3A_50 = %scan3A_45 to %scan3A_47 step %scan3A_48  : i32 {
      %mul3A_51 = arith.constant 16 : i32
      %mul3A_52 = arith.muli %add3A, %mul3A_51 : i32
      %add3A_53 = arith.addi %mul3A_52, %scan3A_50 : i32
      %mul3A_54 = arith.constant 1024 : i32
      %mul3A_55 = arith.muli %add3A, %mul3A_54 : i32
      %mul3A_56 = arith.constant 64 : i32
      %mul3A_57 = arith.muli %scan3A_50, %mul3A_56 : i32
      %add3A_58 = arith.addi %mul3A_55, %mul3A_57 : i32
      %mul3A_59 = arith.constant 26 : i32
      %mul3A_60 = arith.muli %add3A_58, %mul3A_59 : i32
      "tpu.region"() ({
        %run_scoped3A_340 = tpu.sem_alloc : memref<!tpu.dma_semaphore, #tpu.memory_space<semaphore_mem>>
        %dma_start3A_341 = arith.constant 0 : i32
        %dma_start3A_342 = tpu.memref_slice %arg2[%add3A_53, %dma_start3A_341] : memref<512x64xi32, #tpu.memory_space<hbm>> -> memref<1x64xi32, #tpu.memory_space<hbm>>
        %dma_start3A_343 = tpu.memref_squeeze %dma_start3A_342 : memref<1x64xi32, #tpu.memory_space<hbm>> -> memref<64xi32, #tpu.memory_space<hbm>>
        %dma_start3A_344 = arith.constant 0 : i32
        %dma_start3A_345 = tpu.memref_slice %arg2[%add3A_53, %dma_start3A_344] : memref<512x64xi32, #tpu.memory_space<hbm>> -> memref<1x64xi32, #tpu.memory_space<hbm>>
        %dma_start3A_346 = tpu.memref_squeeze %dma_start3A_345 : memref<1x64xi32, #tpu.memory_space<hbm>> -> memref<64xi32, #tpu.memory_space<hbm>>
        tpu.enqueue_dma source(%dma_start3A_346 : memref<64xi32, #tpu.memory_space<hbm>>) target(%arg7 : memref<64xi32, #tpu.memory_space<vmem>>) target_semaphore(%run_scoped3A_340 : memref<!tpu.dma_semaphore, #tpu.memory_space<semaphore_mem>>)
        %dma_wait3A_347 = arith.constant 0 : i32
        %dma_wait3A_348 = tpu.memref_slice %arg2[%add3A_53, %dma_wait3A_347] : memref<512x64xi32, #tpu.memory_space<hbm>> -> memref<1x64xi32, #tpu.memory_space<hbm>>
        %dma_wait3A_349 = tpu.memref_squeeze %dma_wait3A_348 : memref<1x64xi32, #tpu.memory_space<hbm>> -> memref<64xi32, #tpu.memory_space<hbm>>
        %dma_wait3A_350 = arith.constant 0 : i32
        %dma_wait3A_351 = tpu.memref_slice %arg2[%add3A_53, %dma_wait3A_350] : memref<512x64xi32, #tpu.memory_space<hbm>> -> memref<1x64xi32, #tpu.memory_space<hbm>>
        %dma_wait3A_352 = tpu.memref_squeeze %dma_wait3A_351 : memref<1x64xi32, #tpu.memory_space<hbm>> -> memref<64xi32, #tpu.memory_space<hbm>>
        tpu.wait_dma2 semaphore(%run_scoped3A_340 : memref<!tpu.dma_semaphore, #tpu.memory_space<semaphore_mem>>) src(%dma_wait3A_352 : memref<64xi32, #tpu.memory_space<hbm>>) dst(%arg7 : memref<64xi32, #tpu.memory_space<vmem>>)
        tpu.yield
      }) : () -> ()
      "tpu.region"() ({
        %run_scoped3A_340 = tpu.sem_alloc : memref<!tpu.dma_semaphore, #tpu.memory_space<semaphore_mem>>
        %dma_start3A_341 = arith.constant 0 : i32
        %dma_start3A_342 = arith.constant 0 : i32
        %dma_start3A_343 = tpu.memref_slice %arg3[%add3A_53, %dma_start3A_341, %dma_start3A_342] : memref<512x13x128xi32, #tpu.memory_space<hbm>> -> memref<1x13x128xi32, #tpu.memory_space<hbm>>
        %dma_start3A_344 = tpu.memref_squeeze %dma_start3A_343 : memref<1x13x128xi32, #tpu.memory_space<hbm>> -> memref<13x128xi32, #tpu.memory_space<hbm>>
        %dma_start3A_345 = arith.constant 0 : i32
        %dma_start3A_346 = arith.constant 0 : i32
        %dma_start3A_347 = tpu.memref_slice %arg3[%add3A_53, %dma_start3A_345, %dma_start3A_346] : memref<512x13x128xi32, #tpu.memory_space<hbm>> -> memref<1x13x128xi32, #tpu.memory_space<hbm>>
        %dma_start3A_348 = tpu.memref_squeeze %dma_start3A_347 : memref<1x13x128xi32, #tpu.memory_space<hbm>> -> memref<13x128xi32, #tpu.memory_space<hbm>>
        tpu.enqueue_dma source(%dma_start3A_348 : memref<13x128xi32, #tpu.memory_space<hbm>>) target(%arg8 : memref<13x128xi32, #tpu.memory_space<vmem>>) target_semaphore(%run_scoped3A_340 : memref<!tpu.dma_semaphore, #tpu.memory_space<semaphore_mem>>)
        %dma_wait3A_349 = arith.constant 0 : i32
        %dma_wait3A_350 = arith.constant 0 : i32
        %dma_wait3A_351 = tpu.memref_slice %arg3[%add3A_53, %dma_wait3A_349, %dma_wait3A_350] : memref<512x13x128xi32, #tpu.memory_space<hbm>> -> memref<1x13x128xi32, #tpu.memory_space<hbm>>
        %dma_wait3A_352 = tpu.memref_squeeze %dma_wait3A_351 : memref<1x13x128xi32, #tpu.memory_space<hbm>> -> memref<13x128xi32, #tpu.memory_space<hbm>>
        %dma_wait3A_353 = arith.constant 0 : i32
        %dma_wait3A_354 = arith.constant 0 : i32
        %dma_wait3A_355 = tpu.memref_slice %arg3[%add3A_53, %dma_wait3A_353, %dma_wait3A_354] : memref<512x13x128xi32, #tpu.memory_space<hbm>> -> memref<1x13x128xi32, #tpu.memory_space<hbm>>
        %dma_wait3A_356 = tpu.memref_squeeze %dma_wait3A_355 : memref<1x13x128xi32, #tpu.memory_space<hbm>> -> memref<13x128xi32, #tpu.memory_space<hbm>>
        tpu.wait_dma2 semaphore(%run_scoped3A_340 : memref<!tpu.dma_semaphore, #tpu.memory_space<semaphore_mem>>) src(%dma_wait3A_356 : memref<13x128xi32, #tpu.memory_space<hbm>>) dst(%arg8 : memref<13x128xi32, #tpu.memory_space<vmem>>)
        tpu.yield
      }) : () -> ()
      %dma_start3A = arith.constant 0 : i32
      %dma_start3A_61 = arith.constant 0 : i32
      %dma_start3A_62 = tpu.memref_slice %arg4[%dma_start3A, %dma_start3A_61] : memref<100000x32xf32, #tpu.memory_space<hbm>> -> memref<100000x32xf32, #tpu.memory_space<hbm>>
      tpu.enqueue_indirect_dma source(%dma_start3A_62 : memref<100000x32xf32, #tpu.memory_space<hbm>>) target(%arg9 : memref<64x32xf32, #tpu.memory_space<vmem>>) offsets(%arg7 : memref<64xi32, #tpu.memory_space<vmem>>) semaphore(%arg13 : memref<!tpu.dma_semaphore, #tpu.memory_space<semaphore_mem>>)
      %dma_start3A_63 = arith.constant 0 : i32
      %dma_start3A_64 = arith.constant 0 : i32
      %dma_start3A_65 = arith.constant 0 : i32
      %dma_start3A_66 = tpu.memref_slice %arg10[%dma_start3A_64, %dma_start3A_65] : memref<1664x32xf32, #tpu.memory_space<vmem>> -> memref<128x32xf32, #tpu.memory_space<vmem>>
      %dma_start3A_67 = arith.constant 0 : i32
      %dma_start3A_68 = tpu.memref_slice %arg8[%dma_start3A_63, %dma_start3A_67] : memref<13x128xi32, #tpu.memory_space<vmem>> -> memref<1x128xi32, #tpu.memory_space<vmem>>
      %dma_start3A_69 = tpu.memref_squeeze %dma_start3A_68 : memref<1x128xi32, #tpu.memory_space<vmem>> -> memref<128xi32, #tpu.memory_space<vmem>>
      %dma_start3A_70 = arith.constant 0 : i32
      %dma_start3A_71 = arith.constant 0 : i32
      %dma_start3A_72 = tpu.memref_slice %arg4[%dma_start3A_70, %dma_start3A_71] : memref<100000x32xf32, #tpu.memory_space<hbm>> -> memref<100000x32xf32, #tpu.memory_space<hbm>>
      tpu.enqueue_indirect_dma source(%dma_start3A_72 : memref<100000x32xf32, #tpu.memory_space<hbm>>) target(%dma_start3A_66 : memref<128x32xf32, #tpu.memory_space<vmem>>) offsets(%dma_start3A_69 : memref<128xi32, #tpu.memory_space<vmem>>) semaphore(%arg13 : memref<!tpu.dma_semaphore, #tpu.memory_space<semaphore_mem>>)
      %dma_start3A_73 = arith.constant 1 : i32
      %dma_start3A_74 = arith.constant 128 : i32
      %dma_start3A_75 = arith.constant 0 : i32
      %dma_start3A_76 = tpu.memref_slice %arg10[%dma_start3A_74, %dma_start3A_75] : memref<1664x32xf32, #tpu.memory_space<vmem>> -> memref<128x32xf32, #tpu.memory_space<vmem>>
      %dma_start3A_77 = arith.constant 0 : i32
      %dma_start3A_78 = tpu.memref_slice %arg8[%dma_start3A_73, %dma_start3A_77] : memref<13x128xi32, #tpu.memory_space<vmem>> -> memref<1x128xi32, #tpu.memory_space<vmem>>
      %dma_start3A_79 = tpu.memref_squeeze %dma_start3A_78 : memref<1x128xi32, #tpu.memory_space<vmem>> -> memref<128xi32, #tpu.memory_space<vmem>>
      %dma_start3A_80 = arith.constant 0 : i32
      %dma_start3A_81 = arith.constant 0 : i32
      %dma_start3A_82 = tpu.memref_slice %arg4[%dma_start3A_80, %dma_start3A_81] : memref<100000x32xf32, #tpu.memory_space<hbm>> -> memref<100000x32xf32, #tpu.memory_space<hbm>>
      tpu.enqueue_indirect_dma source(%dma_start3A_82 : memref<100000x32xf32, #tpu.memory_space<hbm>>) target(%dma_start3A_76 : memref<128x32xf32, #tpu.memory_space<vmem>>) offsets(%dma_start3A_79 : memref<128xi32, #tpu.memory_space<vmem>>) semaphore(%arg13 : memref<!tpu.dma_semaphore, #tpu.memory_space<semaphore_mem>>)
      %dma_start3A_83 = arith.constant 2 : i32
      %dma_start3A_84 = arith.constant 256 : i32
      %dma_start3A_85 = arith.constant 0 : i32
      %dma_start3A_86 = tpu.memref_slice %arg10[%dma_start3A_84, %dma_start3A_85] : memref<1664x32xf32, #tpu.memory_space<vmem>> -> memref<128x32xf32, #tpu.memory_space<vmem>>
      %dma_start3A_87 = arith.constant 0 : i32
      %dma_start3A_88 = tpu.memref_slice %arg8[%dma_start3A_83, %dma_start3A_87] : memref<13x128xi32, #tpu.memory_space<vmem>> -> memref<1x128xi32, #tpu.memory_space<vmem>>
      %dma_start3A_89 = tpu.memref_squeeze %dma_start3A_88 : memref<1x128xi32, #tpu.memory_space<vmem>> -> memref<128xi32, #tpu.memory_space<vmem>>
      %dma_start3A_90 = arith.constant 0 : i32
      %dma_start3A_91 = arith.constant 0 : i32
      %dma_start3A_92 = tpu.memref_slice %arg4[%dma_start3A_90, %dma_start3A_91] : memref<100000x32xf32, #tpu.memory_space<hbm>> -> memref<100000x32xf32, #tpu.memory_space<hbm>>
      tpu.enqueue_indirect_dma source(%dma_start3A_92 : memref<100000x32xf32, #tpu.memory_space<hbm>>) target(%dma_start3A_86 : memref<128x32xf32, #tpu.memory_space<vmem>>) offsets(%dma_start3A_89 : memref<128xi32, #tpu.memory_space<vmem>>) semaphore(%arg13 : memref<!tpu.dma_semaphore, #tpu.memory_space<semaphore_mem>>)
      %dma_start3A_93 = arith.constant 3 : i32
      %dma_start3A_94 = arith.constant 384 : i32
      %dma_start3A_95 = arith.constant 0 : i32
      %dma_start3A_96 = tpu.memref_slice %arg10[%dma_start3A_94, %dma_start3A_95] : memref<1664x32xf32, #tpu.memory_space<vmem>> -> memref<128x32xf32, #tpu.memory_space<vmem>>
      %dma_start3A_97 = arith.constant 0 : i32
      %dma_start3A_98 = tpu.memref_slice %arg8[%dma_start3A_93, %dma_start3A_97] : memref<13x128xi32, #tpu.memory_space<vmem>> -> memref<1x128xi32, #tpu.memory_space<vmem>>
      %dma_start3A_99 = tpu.memref_squeeze %dma_start3A_98 : memref<1x128xi32, #tpu.memory_space<vmem>> -> memref<128xi32, #tpu.memory_space<vmem>>
      %dma_start3A_100 = arith.constant 0 : i32
      %dma_start3A_101 = arith.constant 0 : i32
      %dma_start3A_102 = tpu.memref_slice %arg4[%dma_start3A_100, %dma_start3A_101] : memref<100000x32xf32, #tpu.memory_space<hbm>> -> memref<100000x32xf32, #tpu.memory_space<hbm>>
      tpu.enqueue_indirect_dma source(%dma_start3A_102 : memref<100000x32xf32, #tpu.memory_space<hbm>>) target(%dma_start3A_96 : memref<128x32xf32, #tpu.memory_space<vmem>>) offsets(%dma_start3A_99 : memref<128xi32, #tpu.memory_space<vmem>>) semaphore(%arg13 : memref<!tpu.dma_semaphore, #tpu.memory_space<semaphore_mem>>)
      %dma_start3A_103 = arith.constant 4 : i32
      %dma_start3A_104 = arith.constant 512 : i32
      %dma_start3A_105 = arith.constant 0 : i32
      %dma_start3A_106 = tpu.memref_slice %arg10[%dma_start3A_104, %dma_start3A_105] : memref<1664x32xf32, #tpu.memory_space<vmem>> -> memref<128x32xf32, #tpu.memory_space<vmem>>
      %dma_start3A_107 = arith.constant 0 : i32
      %dma_start3A_108 = tpu.memref_slice %arg8[%dma_start3A_103, %dma_start3A_107] : memref<13x128xi32, #tpu.memory_space<vmem>> -> memref<1x128xi32, #tpu.memory_space<vmem>>
      %dma_start3A_109 = tpu.memref_squeeze %dma_start3A_108 : memref<1x128xi32, #tpu.memory_space<vmem>> -> memref<128xi32, #tpu.memory_space<vmem>>
      %dma_start3A_110 = arith.constant 0 : i32
      %dma_start3A_111 = arith.constant 0 : i32
      %dma_start3A_112 = tpu.memref_slice %arg4[%dma_start3A_110, %dma_start3A_111] : memref<100000x32xf32, #tpu.memory_space<hbm>> -> memref<100000x32xf32, #tpu.memory_space<hbm>>
      tpu.enqueue_indirect_dma source(%dma_start3A_112 : memref<100000x32xf32, #tpu.memory_space<hbm>>) target(%dma_start3A_106 : memref<128x32xf32, #tpu.memory_space<vmem>>) offsets(%dma_start3A_109 : memref<128xi32, #tpu.memory_space<vmem>>) semaphore(%arg13 : memref<!tpu.dma_semaphore, #tpu.memory_space<semaphore_mem>>)
      %dma_start3A_113 = arith.constant 5 : i32
      %dma_start3A_114 = arith.constant 640 : i32
      %dma_start3A_115 = arith.constant 0 : i32
      %dma_start3A_116 = tpu.memref_slice %arg10[%dma_start3A_114, %dma_start3A_115] : memref<1664x32xf32, #tpu.memory_space<vmem>> -> memref<128x32xf32, #tpu.memory_space<vmem>>
      %dma_start3A_117 = arith.constant 0 : i32
      %dma_start3A_118 = tpu.memref_slice %arg8[%dma_start3A_113, %dma_start3A_117] : memref<13x128xi32, #tpu.memory_space<vmem>> -> memref<1x128xi32, #tpu.memory_space<vmem>>
      %dma_start3A_119 = tpu.memref_squeeze %dma_start3A_118 : memref<1x128xi32, #tpu.memory_space<vmem>> -> memref<128xi32, #tpu.memory_space<vmem>>
      %dma_start3A_120 = arith.constant 0 : i32
      %dma_start3A_121 = arith.constant 0 : i32
      %dma_start3A_122 = tpu.memref_slice %arg4[%dma_start3A_120, %dma_start3A_121] : memref<100000x32xf32, #tpu.memory_space<hbm>> -> memref<100000x32xf32, #tpu.memory_space<hbm>>
      tpu.enqueue_indirect_dma source(%dma_start3A_122 : memref<100000x32xf32, #tpu.memory_space<hbm>>) target(%dma_start3A_116 : memref<128x32xf32, #tpu.memory_space<vmem>>) offsets(%dma_start3A_119 : memref<128xi32, #tpu.memory_space<vmem>>) semaphore(%arg13 : memref<!tpu.dma_semaphore, #tpu.memory_space<semaphore_mem>>)
      %dma_start3A_123 = arith.constant 6 : i32
      %dma_start3A_124 = arith.constant 768 : i32
      %dma_start3A_125 = arith.constant 0 : i32
      %dma_start3A_126 = tpu.memref_slice %arg10[%dma_start3A_124, %dma_start3A_125] : memref<1664x32xf32, #tpu.memory_space<vmem>> -> memref<128x32xf32, #tpu.memory_space<vmem>>
      %dma_start3A_127 = arith.constant 0 : i32
      %dma_start3A_128 = tpu.memref_slice %arg8[%dma_start3A_123, %dma_start3A_127] : memref<13x128xi32, #tpu.memory_space<vmem>> -> memref<1x128xi32, #tpu.memory_space<vmem>>
      %dma_start3A_129 = tpu.memref_squeeze %dma_start3A_128 : memref<1x128xi32, #tpu.memory_space<vmem>> -> memref<128xi32, #tpu.memory_space<vmem>>
      %dma_start3A_130 = arith.constant 0 : i32
      %dma_start3A_131 = arith.constant 0 : i32
      %dma_start3A_132 = tpu.memref_slice %arg4[%dma_start3A_130, %dma_start3A_131] : memref<100000x32xf32, #tpu.memory_space<hbm>> -> memref<100000x32xf32, #tpu.memory_space<hbm>>
      tpu.enqueue_indirect_dma source(%dma_start3A_132 : memref<100000x32xf32, #tpu.memory_space<hbm>>) target(%dma_start3A_126 : memref<128x32xf32, #tpu.memory_space<vmem>>) offsets(%dma_start3A_129 : memref<128xi32, #tpu.memory_space<vmem>>) semaphore(%arg13 : memref<!tpu.dma_semaphore, #tpu.memory_space<semaphore_mem>>)
      %dma_start3A_133 = arith.constant 7 : i32
      %dma_start3A_134 = arith.constant 896 : i32
      %dma_start3A_135 = arith.constant 0 : i32
      %dma_start3A_136 = tpu.memref_slice %arg10[%dma_start3A_134, %dma_start3A_135] : memref<1664x32xf32, #tpu.memory_space<vmem>> -> memref<128x32xf32, #tpu.memory_space<vmem>>
      %dma_start3A_137 = arith.constant 0 : i32
      %dma_start3A_138 = tpu.memref_slice %arg8[%dma_start3A_133, %dma_start3A_137] : memref<13x128xi32, #tpu.memory_space<vmem>> -> memref<1x128xi32, #tpu.memory_space<vmem>>
      %dma_start3A_139 = tpu.memref_squeeze %dma_start3A_138 : memref<1x128xi32, #tpu.memory_space<vmem>> -> memref<128xi32, #tpu.memory_space<vmem>>
      %dma_start3A_140 = arith.constant 0 : i32
      %dma_start3A_141 = arith.constant 0 : i32
      %dma_start3A_142 = tpu.memref_slice %arg4[%dma_start3A_140, %dma_start3A_141] : memref<100000x32xf32, #tpu.memory_space<hbm>> -> memref<100000x32xf32, #tpu.memory_space<hbm>>
      tpu.enqueue_indirect_dma source(%dma_start3A_142 : memref<100000x32xf32, #tpu.memory_space<hbm>>) target(%dma_start3A_136 : memref<128x32xf32, #tpu.memory_space<vmem>>) offsets(%dma_start3A_139 : memref<128xi32, #tpu.memory_space<vmem>>) semaphore(%arg13 : memref<!tpu.dma_semaphore, #tpu.memory_space<semaphore_mem>>)
      %dma_start3A_143 = arith.constant 8 : i32
      %dma_start3A_144 = arith.constant 1024 : i32
      %dma_start3A_145 = arith.constant 0 : i32
      %dma_start3A_146 = tpu.memref_slice %arg10[%dma_start3A_144, %dma_start3A_145] : memref<1664x32xf32, #tpu.memory_space<vmem>> -> memref<128x32xf32, #tpu.memory_space<vmem>>
      %dma_start3A_147 = arith.constant 0 : i32
      %dma_start3A_148 = tpu.memref_slice %arg8[%dma_start3A_143, %dma_start3A_147] : memref<13x128xi32, #tpu.memory_space<vmem>> -> memref<1x128xi32, #tpu.memory_space<vmem>>
      %dma_start3A_149 = tpu.memref_squeeze %dma_start3A_148 : memref<1x128xi32, #tpu.memory_space<vmem>> -> memref<128xi32, #tpu.memory_space<vmem>>
      %dma_start3A_150 = arith.constant 0 : i32
      %dma_start3A_151 = arith.constant 0 : i32
      %dma_start3A_152 = tpu.memref_slice %arg4[%dma_start3A_150, %dma_start3A_151] : memref<100000x32xf32, #tpu.memory_space<hbm>> -> memref<100000x32xf32, #tpu.memory_space<hbm>>
      tpu.enqueue_indirect_dma source(%dma_start3A_152 : memref<100000x32xf32, #tpu.memory_space<hbm>>) target(%dma_start3A_146 : memref<128x32xf32, #tpu.memory_space<vmem>>) offsets(%dma_start3A_149 : memref<128xi32, #tpu.memory_space<vmem>>) semaphore(%arg13 : memref<!tpu.dma_semaphore, #tpu.memory_space<semaphore_mem>>)
      %dma_start3A_153 = arith.constant 9 : i32
      %dma_start3A_154 = arith.constant 1152 : i32
      %dma_start3A_155 = arith.constant 0 : i32
      %dma_start3A_156 = tpu.memref_slice %arg10[%dma_start3A_154, %dma_start3A_155] : memref<1664x32xf32, #tpu.memory_space<vmem>> -> memref<128x32xf32, #tpu.memory_space<vmem>>
      %dma_start3A_157 = arith.constant 0 : i32
      %dma_start3A_158 = tpu.memref_slice %arg8[%dma_start3A_153, %dma_start3A_157] : memref<13x128xi32, #tpu.memory_space<vmem>> -> memref<1x128xi32, #tpu.memory_space<vmem>>
      %dma_start3A_159 = tpu.memref_squeeze %dma_start3A_158 : memref<1x128xi32, #tpu.memory_space<vmem>> -> memref<128xi32, #tpu.memory_space<vmem>>
      %dma_start3A_160 = arith.constant 0 : i32
      %dma_start3A_161 = arith.constant 0 : i32
      %dma_start3A_162 = tpu.memref_slice %arg4[%dma_start3A_160, %dma_start3A_161] : memref<100000x32xf32, #tpu.memory_space<hbm>> -> memref<100000x32xf32, #tpu.memory_space<hbm>>
      tpu.enqueue_indirect_dma source(%dma_start3A_162 : memref<100000x32xf32, #tpu.memory_space<hbm>>) target(%dma_start3A_156 : memref<128x32xf32, #tpu.memory_space<vmem>>) offsets(%dma_start3A_159 : memref<128xi32, #tpu.memory_space<vmem>>) semaphore(%arg13 : memref<!tpu.dma_semaphore, #tpu.memory_space<semaphore_mem>>)
      %dma_start3A_163 = arith.constant 10 : i32
      %dma_start3A_164 = arith.constant 1280 : i32
      %dma_start3A_165 = arith.constant 0 : i32
      %dma_start3A_166 = tpu.memref_slice %arg10[%dma_start3A_164, %dma_start3A_165] : memref<1664x32xf32, #tpu.memory_space<vmem>> -> memref<128x32xf32, #tpu.memory_space<vmem>>
      %dma_start3A_167 = arith.constant 0 : i32
      %dma_start3A_168 = tpu.memref_slice %arg8[%dma_start3A_163, %dma_start3A_167] : memref<13x128xi32, #tpu.memory_space<vmem>> -> memref<1x128xi32, #tpu.memory_space<vmem>>
      %dma_start3A_169 = tpu.memref_squeeze %dma_start3A_168 : memref<1x128xi32, #tpu.memory_space<vmem>> -> memref<128xi32, #tpu.memory_space<vmem>>
      %dma_start3A_170 = arith.constant 0 : i32
      %dma_start3A_171 = arith.constant 0 : i32
      %dma_start3A_172 = tpu.memref_slice %arg4[%dma_start3A_170, %dma_start3A_171] : memref<100000x32xf32, #tpu.memory_space<hbm>> -> memref<100000x32xf32, #tpu.memory_space<hbm>>
      tpu.enqueue_indirect_dma source(%dma_start3A_172 : memref<100000x32xf32, #tpu.memory_space<hbm>>) target(%dma_start3A_166 : memref<128x32xf32, #tpu.memory_space<vmem>>) offsets(%dma_start3A_169 : memref<128xi32, #tpu.memory_space<vmem>>) semaphore(%arg13 : memref<!tpu.dma_semaphore, #tpu.memory_space<semaphore_mem>>)
      %dma_start3A_173 = arith.constant 11 : i32
      %dma_start3A_174 = arith.constant 1408 : i32
      %dma_start3A_175 = arith.constant 0 : i32
      %dma_start3A_176 = tpu.memref_slice %arg10[%dma_start3A_174, %dma_start3A_175] : memref<1664x32xf32, #tpu.memory_space<vmem>> -> memref<128x32xf32, #tpu.memory_space<vmem>>
      %dma_start3A_177 = arith.constant 0 : i32
      %dma_start3A_178 = tpu.memref_slice %arg8[%dma_start3A_173, %dma_start3A_177] : memref<13x128xi32, #tpu.memory_space<vmem>> -> memref<1x128xi32, #tpu.memory_space<vmem>>
      %dma_start3A_179 = tpu.memref_squeeze %dma_start3A_178 : memref<1x128xi32, #tpu.memory_space<vmem>> -> memref<128xi32, #tpu.memory_space<vmem>>
      %dma_start3A_180 = arith.constant 0 : i32
      %dma_start3A_181 = arith.constant 0 : i32
      %dma_start3A_182 = tpu.memref_slice %arg4[%dma_start3A_180, %dma_start3A_181] : memref<100000x32xf32, #tpu.memory_space<hbm>> -> memref<100000x32xf32, #tpu.memory_space<hbm>>
      tpu.enqueue_indirect_dma source(%dma_start3A_182 : memref<100000x32xf32, #tpu.memory_space<hbm>>) target(%dma_start3A_176 : memref<128x32xf32, #tpu.memory_space<vmem>>) offsets(%dma_start3A_179 : memref<128xi32, #tpu.memory_space<vmem>>) semaphore(%arg13 : memref<!tpu.dma_semaphore, #tpu.memory_space<semaphore_mem>>)
      %dma_start3A_183 = arith.constant 12 : i32
      %dma_start3A_184 = arith.constant 1536 : i32
      %dma_start3A_185 = arith.constant 0 : i32
      %dma_start3A_186 = tpu.memref_slice %arg10[%dma_start3A_184, %dma_start3A_185] : memref<1664x32xf32, #tpu.memory_space<vmem>> -> memref<128x32xf32, #tpu.memory_space<vmem>>
      %dma_start3A_187 = arith.constant 0 : i32
      %dma_start3A_188 = tpu.memref_slice %arg8[%dma_start3A_183, %dma_start3A_187] : memref<13x128xi32, #tpu.memory_space<vmem>> -> memref<1x128xi32, #tpu.memory_space<vmem>>
      %dma_start3A_189 = tpu.memref_squeeze %dma_start3A_188 : memref<1x128xi32, #tpu.memory_space<vmem>> -> memref<128xi32, #tpu.memory_space<vmem>>
      %dma_start3A_190 = arith.constant 0 : i32
      %dma_start3A_191 = arith.constant 0 : i32
      %dma_start3A_192 = tpu.memref_slice %arg4[%dma_start3A_190, %dma_start3A_191] : memref<100000x32xf32, #tpu.memory_space<hbm>> -> memref<100000x32xf32, #tpu.memory_space<hbm>>
      tpu.enqueue_indirect_dma source(%dma_start3A_192 : memref<100000x32xf32, #tpu.memory_space<hbm>>) target(%dma_start3A_186 : memref<128x32xf32, #tpu.memory_space<vmem>>) offsets(%dma_start3A_189 : memref<128xi32, #tpu.memory_space<vmem>>) semaphore(%arg13 : memref<!tpu.dma_semaphore, #tpu.memory_space<semaphore_mem>>)
      %dma_wait3A = arith.constant 0 : i32
      %dma_wait3A_193 = arith.constant 0 : i32
      %dma_wait3A_194 = tpu.memref_slice %arg4[%dma_wait3A, %dma_wait3A_193] : memref<100000x32xf32, #tpu.memory_space<hbm>> -> memref<100000x32xf32, #tpu.memory_space<hbm>>
      tpu.wait_indirect_dma semaphore(%arg13 : memref<!tpu.dma_semaphore, #tpu.memory_space<semaphore_mem>>) src(%dma_wait3A_194 : memref<100000x32xf32, #tpu.memory_space<hbm>>) dst(%arg9 : memref<64x32xf32, #tpu.memory_space<vmem>>)
      %dma_wait3A_195 = arith.constant 0 : i32
      %dma_wait3A_196 = arith.constant 0 : i32
      %dma_wait3A_197 = arith.constant 0 : i32
      %dma_wait3A_198 = tpu.memref_slice %arg10[%dma_wait3A_196, %dma_wait3A_197] : memref<1664x32xf32, #tpu.memory_space<vmem>> -> memref<128x32xf32, #tpu.memory_space<vmem>>
      %dma_wait3A_199 = arith.constant 0 : i32
      %dma_wait3A_200 = tpu.memref_slice %arg8[%dma_wait3A_195, %dma_wait3A_199] : memref<13x128xi32, #tpu.memory_space<vmem>> -> memref<1x128xi32, #tpu.memory_space<vmem>>
      %dma_wait3A_201 = tpu.memref_squeeze %dma_wait3A_200 : memref<1x128xi32, #tpu.memory_space<vmem>> -> memref<128xi32, #tpu.memory_space<vmem>>
      %dma_wait3A_202 = arith.constant 0 : i32
      %dma_wait3A_203 = arith.constant 0 : i32
      %dma_wait3A_204 = tpu.memref_slice %arg4[%dma_wait3A_202, %dma_wait3A_203] : memref<100000x32xf32, #tpu.memory_space<hbm>> -> memref<100000x32xf32, #tpu.memory_space<hbm>>
      tpu.wait_indirect_dma semaphore(%arg13 : memref<!tpu.dma_semaphore, #tpu.memory_space<semaphore_mem>>) src(%dma_wait3A_204 : memref<100000x32xf32, #tpu.memory_space<hbm>>) dst(%dma_wait3A_198 : memref<128x32xf32, #tpu.memory_space<vmem>>)
      %dma_wait3A_205 = arith.constant 1 : i32
      %dma_wait3A_206 = arith.constant 128 : i32
      %dma_wait3A_207 = arith.constant 0 : i32
      %dma_wait3A_208 = tpu.memref_slice %arg10[%dma_wait3A_206, %dma_wait3A_207] : memref<1664x32xf32, #tpu.memory_space<vmem>> -> memref<128x32xf32, #tpu.memory_space<vmem>>
      %dma_wait3A_209 = arith.constant 0 : i32
      %dma_wait3A_210 = tpu.memref_slice %arg8[%dma_wait3A_205, %dma_wait3A_209] : memref<13x128xi32, #tpu.memory_space<vmem>> -> memref<1x128xi32, #tpu.memory_space<vmem>>
      %dma_wait3A_211 = tpu.memref_squeeze %dma_wait3A_210 : memref<1x128xi32, #tpu.memory_space<vmem>> -> memref<128xi32, #tpu.memory_space<vmem>>
      %dma_wait3A_212 = arith.constant 0 : i32
      %dma_wait3A_213 = arith.constant 0 : i32
      %dma_wait3A_214 = tpu.memref_slice %arg4[%dma_wait3A_212, %dma_wait3A_213] : memref<100000x32xf32, #tpu.memory_space<hbm>> -> memref<100000x32xf32, #tpu.memory_space<hbm>>
      tpu.wait_indirect_dma semaphore(%arg13 : memref<!tpu.dma_semaphore, #tpu.memory_space<semaphore_mem>>) src(%dma_wait3A_214 : memref<100000x32xf32, #tpu.memory_space<hbm>>) dst(%dma_wait3A_208 : memref<128x32xf32, #tpu.memory_space<vmem>>)
      %dma_wait3A_215 = arith.constant 2 : i32
      %dma_wait3A_216 = arith.constant 256 : i32
      %dma_wait3A_217 = arith.constant 0 : i32
      %dma_wait3A_218 = tpu.memref_slice %arg10[%dma_wait3A_216, %dma_wait3A_217] : memref<1664x32xf32, #tpu.memory_space<vmem>> -> memref<128x32xf32, #tpu.memory_space<vmem>>
      %dma_wait3A_219 = arith.constant 0 : i32
      %dma_wait3A_220 = tpu.memref_slice %arg8[%dma_wait3A_215, %dma_wait3A_219] : memref<13x128xi32, #tpu.memory_space<vmem>> -> memref<1x128xi32, #tpu.memory_space<vmem>>
      %dma_wait3A_221 = tpu.memref_squeeze %dma_wait3A_220 : memref<1x128xi32, #tpu.memory_space<vmem>> -> memref<128xi32, #tpu.memory_space<vmem>>
      %dma_wait3A_222 = arith.constant 0 : i32
      %dma_wait3A_223 = arith.constant 0 : i32
      %dma_wait3A_224 = tpu.memref_slice %arg4[%dma_wait3A_222, %dma_wait3A_223] : memref<100000x32xf32, #tpu.memory_space<hbm>> -> memref<100000x32xf32, #tpu.memory_space<hbm>>
      tpu.wait_indirect_dma semaphore(%arg13 : memref<!tpu.dma_semaphore, #tpu.memory_space<semaphore_mem>>) src(%dma_wait3A_224 : memref<100000x32xf32, #tpu.memory_space<hbm>>) dst(%dma_wait3A_218 : memref<128x32xf32, #tpu.memory_space<vmem>>)
      %dma_wait3A_225 = arith.constant 3 : i32
      %dma_wait3A_226 = arith.constant 384 : i32
      %dma_wait3A_227 = arith.constant 0 : i32
      %dma_wait3A_228 = tpu.memref_slice %arg10[%dma_wait3A_226, %dma_wait3A_227] : memref<1664x32xf32, #tpu.memory_space<vmem>> -> memref<128x32xf32, #tpu.memory_space<vmem>>
      %dma_wait3A_229 = arith.constant 0 : i32
      %dma_wait3A_230 = tpu.memref_slice %arg8[%dma_wait3A_225, %dma_wait3A_229] : memref<13x128xi32, #tpu.memory_space<vmem>> -> memref<1x128xi32, #tpu.memory_space<vmem>>
      %dma_wait3A_231 = tpu.memref_squeeze %dma_wait3A_230 : memref<1x128xi32, #tpu.memory_space<vmem>> -> memref<128xi32, #tpu.memory_space<vmem>>
      %dma_wait3A_232 = arith.constant 0 : i32
      %dma_wait3A_233 = arith.constant 0 : i32
      %dma_wait3A_234 = tpu.memref_slice %arg4[%dma_wait3A_232, %dma_wait3A_233] : memref<100000x32xf32, #tpu.memory_space<hbm>> -> memref<100000x32xf32, #tpu.memory_space<hbm>>
      tpu.wait_indirect_dma semaphore(%arg13 : memref<!tpu.dma_semaphore, #tpu.memory_space<semaphore_mem>>) src(%dma_wait3A_234 : memref<100000x32xf32, #tpu.memory_space<hbm>>) dst(%dma_wait3A_228 : memref<128x32xf32, #tpu.memory_space<vmem>>)
      %dma_wait3A_235 = arith.constant 4 : i32
      %dma_wait3A_236 = arith.constant 512 : i32
      %dma_wait3A_237 = arith.constant 0 : i32
      %dma_wait3A_238 = tpu.memref_slice %arg10[%dma_wait3A_236, %dma_wait3A_237] : memref<1664x32xf32, #tpu.memory_space<vmem>> -> memref<128x32xf32, #tpu.memory_space<vmem>>
      %dma_wait3A_239 = arith.constant 0 : i32
      %dma_wait3A_240 = tpu.memref_slice %arg8[%dma_wait3A_235, %dma_wait3A_239] : memref<13x128xi32, #tpu.memory_space<vmem>> -> memref<1x128xi32, #tpu.memory_space<vmem>>
      %dma_wait3A_241 = tpu.memref_squeeze %dma_wait3A_240 : memref<1x128xi32, #tpu.memory_space<vmem>> -> memref<128xi32, #tpu.memory_space<vmem>>
      %dma_wait3A_242 = arith.constant 0 : i32
      %dma_wait3A_243 = arith.constant 0 : i32
      %dma_wait3A_244 = tpu.memref_slice %arg4[%dma_wait3A_242, %dma_wait3A_243] : memref<100000x32xf32, #tpu.memory_space<hbm>> -> memref<100000x32xf32, #tpu.memory_space<hbm>>
      tpu.wait_indirect_dma semaphore(%arg13 : memref<!tpu.dma_semaphore, #tpu.memory_space<semaphore_mem>>) src(%dma_wait3A_244 : memref<100000x32xf32, #tpu.memory_space<hbm>>) dst(%dma_wait3A_238 : memref<128x32xf32, #tpu.memory_space<vmem>>)
      %dma_wait3A_245 = arith.constant 5 : i32
      %dma_wait3A_246 = arith.constant 640 : i32
      %dma_wait3A_247 = arith.constant 0 : i32
      %dma_wait3A_248 = tpu.memref_slice %arg10[%dma_wait3A_246, %dma_wait3A_247] : memref<1664x32xf32, #tpu.memory_space<vmem>> -> memref<128x32xf32, #tpu.memory_space<vmem>>
      %dma_wait3A_249 = arith.constant 0 : i32
      %dma_wait3A_250 = tpu.memref_slice %arg8[%dma_wait3A_245, %dma_wait3A_249] : memref<13x128xi32, #tpu.memory_space<vmem>> -> memref<1x128xi32, #tpu.memory_space<vmem>>
      %dma_wait3A_251 = tpu.memref_squeeze %dma_wait3A_250 : memref<1x128xi32, #tpu.memory_space<vmem>> -> memref<128xi32, #tpu.memory_space<vmem>>
      %dma_wait3A_252 = arith.constant 0 : i32
      %dma_wait3A_253 = arith.constant 0 : i32
      %dma_wait3A_254 = tpu.memref_slice %arg4[%dma_wait3A_252, %dma_wait3A_253] : memref<100000x32xf32, #tpu.memory_space<hbm>> -> memref<100000x32xf32, #tpu.memory_space<hbm>>
      tpu.wait_indirect_dma semaphore(%arg13 : memref<!tpu.dma_semaphore, #tpu.memory_space<semaphore_mem>>) src(%dma_wait3A_254 : memref<100000x32xf32, #tpu.memory_space<hbm>>) dst(%dma_wait3A_248 : memref<128x32xf32, #tpu.memory_space<vmem>>)
      %dma_wait3A_255 = arith.constant 6 : i32
      %dma_wait3A_256 = arith.constant 768 : i32
      %dma_wait3A_257 = arith.constant 0 : i32
      %dma_wait3A_258 = tpu.memref_slice %arg10[%dma_wait3A_256, %dma_wait3A_257] : memref<1664x32xf32, #tpu.memory_space<vmem>> -> memref<128x32xf32, #tpu.memory_space<vmem>>
      %dma_wait3A_259 = arith.constant 0 : i32
      %dma_wait3A_260 = tpu.memref_slice %arg8[%dma_wait3A_255, %dma_wait3A_259] : memref<13x128xi32, #tpu.memory_space<vmem>> -> memref<1x128xi32, #tpu.memory_space<vmem>>
      %dma_wait3A_261 = tpu.memref_squeeze %dma_wait3A_260 : memref<1x128xi32, #tpu.memory_space<vmem>> -> memref<128xi32, #tpu.memory_space<vmem>>
      %dma_wait3A_262 = arith.constant 0 : i32
      %dma_wait3A_263 = arith.constant 0 : i32
      %dma_wait3A_264 = tpu.memref_slice %arg4[%dma_wait3A_262, %dma_wait3A_263] : memref<100000x32xf32, #tpu.memory_space<hbm>> -> memref<100000x32xf32, #tpu.memory_space<hbm>>
      tpu.wait_indirect_dma semaphore(%arg13 : memref<!tpu.dma_semaphore, #tpu.memory_space<semaphore_mem>>) src(%dma_wait3A_264 : memref<100000x32xf32, #tpu.memory_space<hbm>>) dst(%dma_wait3A_258 : memref<128x32xf32, #tpu.memory_space<vmem>>)
      %dma_wait3A_265 = arith.constant 7 : i32
      %dma_wait3A_266 = arith.constant 896 : i32
      %dma_wait3A_267 = arith.constant 0 : i32
      %dma_wait3A_268 = tpu.memref_slice %arg10[%dma_wait3A_266, %dma_wait3A_267] : memref<1664x32xf32, #tpu.memory_space<vmem>> -> memref<128x32xf32, #tpu.memory_space<vmem>>
      %dma_wait3A_269 = arith.constant 0 : i32
      %dma_wait3A_270 = tpu.memref_slice %arg8[%dma_wait3A_265, %dma_wait3A_269] : memref<13x128xi32, #tpu.memory_space<vmem>> -> memref<1x128xi32, #tpu.memory_space<vmem>>
      %dma_wait3A_271 = tpu.memref_squeeze %dma_wait3A_270 : memref<1x128xi32, #tpu.memory_space<vmem>> -> memref<128xi32, #tpu.memory_space<vmem>>
      %dma_wait3A_272 = arith.constant 0 : i32
      %dma_wait3A_273 = arith.constant 0 : i32
      %dma_wait3A_274 = tpu.memref_slice %arg4[%dma_wait3A_272, %dma_wait3A_273] : memref<100000x32xf32, #tpu.memory_space<hbm>> -> memref<100000x32xf32, #tpu.memory_space<hbm>>
      tpu.wait_indirect_dma semaphore(%arg13 : memref<!tpu.dma_semaphore, #tpu.memory_space<semaphore_mem>>) src(%dma_wait3A_274 : memref<100000x32xf32, #tpu.memory_space<hbm>>) dst(%dma_wait3A_268 : memref<128x32xf32, #tpu.memory_space<vmem>>)
      %dma_wait3A_275 = arith.constant 8 : i32
      %dma_wait3A_276 = arith.constant 1024 : i32
      %dma_wait3A_277 = arith.constant 0 : i32
      %dma_wait3A_278 = tpu.memref_slice %arg10[%dma_wait3A_276, %dma_wait3A_277] : memref<1664x32xf32, #tpu.memory_space<vmem>> -> memref<128x32xf32, #tpu.memory_space<vmem>>
      %dma_wait3A_279 = arith.constant 0 : i32
      %dma_wait3A_280 = tpu.memref_slice %arg8[%dma_wait3A_275, %dma_wait3A_279] : memref<13x128xi32, #tpu.memory_space<vmem>> -> memref<1x128xi32, #tpu.memory_space<vmem>>
      %dma_wait3A_281 = tpu.memref_squeeze %dma_wait3A_280 : memref<1x128xi32, #tpu.memory_space<vmem>> -> memref<128xi32, #tpu.memory_space<vmem>>
      %dma_wait3A_282 = arith.constant 0 : i32
      %dma_wait3A_283 = arith.constant 0 : i32
      %dma_wait3A_284 = tpu.memref_slice %arg4[%dma_wait3A_282, %dma_wait3A_283] : memref<100000x32xf32, #tpu.memory_space<hbm>> -> memref<100000x32xf32, #tpu.memory_space<hbm>>
      tpu.wait_indirect_dma semaphore(%arg13 : memref<!tpu.dma_semaphore, #tpu.memory_space<semaphore_mem>>) src(%dma_wait3A_284 : memref<100000x32xf32, #tpu.memory_space<hbm>>) dst(%dma_wait3A_278 : memref<128x32xf32, #tpu.memory_space<vmem>>)
      %dma_wait3A_285 = arith.constant 9 : i32
      %dma_wait3A_286 = arith.constant 1152 : i32
      %dma_wait3A_287 = arith.constant 0 : i32
      %dma_wait3A_288 = tpu.memref_slice %arg10[%dma_wait3A_286, %dma_wait3A_287] : memref<1664x32xf32, #tpu.memory_space<vmem>> -> memref<128x32xf32, #tpu.memory_space<vmem>>
      %dma_wait3A_289 = arith.constant 0 : i32
      %dma_wait3A_290 = tpu.memref_slice %arg8[%dma_wait3A_285, %dma_wait3A_289] : memref<13x128xi32, #tpu.memory_space<vmem>> -> memref<1x128xi32, #tpu.memory_space<vmem>>
      %dma_wait3A_291 = tpu.memref_squeeze %dma_wait3A_290 : memref<1x128xi32, #tpu.memory_space<vmem>> -> memref<128xi32, #tpu.memory_space<vmem>>
      %dma_wait3A_292 = arith.constant 0 : i32
      %dma_wait3A_293 = arith.constant 0 : i32
      %dma_wait3A_294 = tpu.memref_slice %arg4[%dma_wait3A_292, %dma_wait3A_293] : memref<100000x32xf32, #tpu.memory_space<hbm>> -> memref<100000x32xf32, #tpu.memory_space<hbm>>
      tpu.wait_indirect_dma semaphore(%arg13 : memref<!tpu.dma_semaphore, #tpu.memory_space<semaphore_mem>>) src(%dma_wait3A_294 : memref<100000x32xf32, #tpu.memory_space<hbm>>) dst(%dma_wait3A_288 : memref<128x32xf32, #tpu.memory_space<vmem>>)
      %dma_wait3A_295 = arith.constant 10 : i32
      %dma_wait3A_296 = arith.constant 1280 : i32
      %dma_wait3A_297 = arith.constant 0 : i32
      %dma_wait3A_298 = tpu.memref_slice %arg10[%dma_wait3A_296, %dma_wait3A_297] : memref<1664x32xf32, #tpu.memory_space<vmem>> -> memref<128x32xf32, #tpu.memory_space<vmem>>
      %dma_wait3A_299 = arith.constant 0 : i32
      %dma_wait3A_300 = tpu.memref_slice %arg8[%dma_wait3A_295, %dma_wait3A_299] : memref<13x128xi32, #tpu.memory_space<vmem>> -> memref<1x128xi32, #tpu.memory_space<vmem>>
      %dma_wait3A_301 = tpu.memref_squeeze %dma_wait3A_300 : memref<1x128xi32, #tpu.memory_space<vmem>> -> memref<128xi32, #tpu.memory_space<vmem>>
      %dma_wait3A_302 = arith.constant 0 : i32
      %dma_wait3A_303 = arith.constant 0 : i32
      %dma_wait3A_304 = tpu.memref_slice %arg4[%dma_wait3A_302, %dma_wait3A_303] : memref<100000x32xf32, #tpu.memory_space<hbm>> -> memref<100000x32xf32, #tpu.memory_space<hbm>>
      tpu.wait_indirect_dma semaphore(%arg13 : memref<!tpu.dma_semaphore, #tpu.memory_space<semaphore_mem>>) src(%dma_wait3A_304 : memref<100000x32xf32, #tpu.memory_space<hbm>>) dst(%dma_wait3A_298 : memref<128x32xf32, #tpu.memory_space<vmem>>)
      %dma_wait3A_305 = arith.constant 11 : i32
      %dma_wait3A_306 = arith.constant 1408 : i32
      %dma_wait3A_307 = arith.constant 0 : i32
      %dma_wait3A_308 = tpu.memref_slice %arg10[%dma_wait3A_306, %dma_wait3A_307] : memref<1664x32xf32, #tpu.memory_space<vmem>> -> memref<128x32xf32, #tpu.memory_space<vmem>>
      %dma_wait3A_309 = arith.constant 0 : i32
      %dma_wait3A_310 = tpu.memref_slice %arg8[%dma_wait3A_305, %dma_wait3A_309] : memref<13x128xi32, #tpu.memory_space<vmem>> -> memref<1x128xi32, #tpu.memory_space<vmem>>
      %dma_wait3A_311 = tpu.memref_squeeze %dma_wait3A_310 : memref<1x128xi32, #tpu.memory_space<vmem>> -> memref<128xi32, #tpu.memory_space<vmem>>
      %dma_wait3A_312 = arith.constant 0 : i32
      %dma_wait3A_313 = arith.constant 0 : i32
      %dma_wait3A_314 = tpu.memref_slice %arg4[%dma_wait3A_312, %dma_wait3A_313] : memref<100000x32xf32, #tpu.memory_space<hbm>> -> memref<100000x32xf32, #tpu.memory_space<hbm>>
      tpu.wait_indirect_dma semaphore(%arg13 : memref<!tpu.dma_semaphore, #tpu.memory_space<semaphore_mem>>) src(%dma_wait3A_314 : memref<100000x32xf32, #tpu.memory_space<hbm>>) dst(%dma_wait3A_308 : memref<128x32xf32, #tpu.memory_space<vmem>>)
      %dma_wait3A_315 = arith.constant 12 : i32
      %dma_wait3A_316 = arith.constant 1536 : i32
      %dma_wait3A_317 = arith.constant 0 : i32
      %dma_wait3A_318 = tpu.memref_slice %arg10[%dma_wait3A_316, %dma_wait3A_317] : memref<1664x32xf32, #tpu.memory_space<vmem>> -> memref<128x32xf32, #tpu.memory_space<vmem>>
      %dma_wait3A_319 = arith.constant 0 : i32
      %dma_wait3A_320 = tpu.memref_slice %arg8[%dma_wait3A_315, %dma_wait3A_319] : memref<13x128xi32, #tpu.memory_space<vmem>> -> memref<1x128xi32, #tpu.memory_space<vmem>>
      %dma_wait3A_321 = tpu.memref_squeeze %dma_wait3A_320 : memref<1x128xi32, #tpu.memory_space<vmem>> -> memref<128xi32, #tpu.memory_space<vmem>>
      %dma_wait3A_322 = arith.constant 0 : i32
      %dma_wait3A_323 = arith.constant 0 : i32
      %dma_wait3A_324 = tpu.memref_slice %arg4[%dma_wait3A_322, %dma_wait3A_323] : memref<100000x32xf32, #tpu.memory_space<hbm>> -> memref<100000x32xf32, #tpu.memory_space<hbm>>
      tpu.wait_indirect_dma semaphore(%arg13 : memref<!tpu.dma_semaphore, #tpu.memory_space<semaphore_mem>>) src(%dma_wait3A_324 : memref<100000x32xf32, #tpu.memory_space<hbm>>) dst(%dma_wait3A_318 : memref<128x32xf32, #tpu.memory_space<vmem>>)
      %scan3A_325 = arith.constant 0 : i32
      %scan3A_326 = arith.constant 0 : i32
      %scan3A_327 = arith.constant 0 : i32
      %scan3A_328 = arith.constant 104 : i32
      %scan3A_329 = arith.addi %scan3A_327, %scan3A_328 : i32
      %scan3A_330 = arith.constant 1 : i32
      %scan3A_331:2 = scf.for %scan3A_340 = %scan3A_327 to %scan3A_329 step %scan3A_330 iter_args(%scan3A_341 = %scan3A_325, %scan3A_342 = %scan3A_326) -> (i32, i32)  : i32 {
        %mul3A_343 = arith.constant 16 : i32
        %mul3A_344 = arith.muli %scan3A_340, %mul3A_343 : i32
        %add3A_345 = arith.constant 0 : i32
        %add3A_346 = arith.addi %mul3A_344, %add3A_345 : i32
        %add3A_347 = arith.constant 0 : i32
        %add3A_348 = arith.addi %scan3A_342, %add3A_347 : i32
        %ge3A = arith.constant 26 : i32
        %ge3A_349 = arith.cmpi sge, %add3A_348, %ge3A : i32
        %convert_element_type3A = arith.extui %ge3A_349 : i1 to i32
        %add3A_350 = arith.addi %scan3A_341, %convert_element_type3A : i32
        %get3A_351 = arith.index_cast %add3A_346 : i32 to index
        %get3A_352 = arith.constant 0 : index
        %get3A_353 = tpu.vector_load %arg10[%get3A_351, %get3A_352] {strides = array<i32>} : memref<1664x32xf32, #tpu.memory_space<vmem>>, vector<16xf32>,
        %get3A_354 = arith.index_cast %add3A_346 : i32 to index
        %get3A_355 = arith.constant 16 : index
        %get3A_356 = tpu.vector_load %arg10[%get3A_354, %get3A_355] {strides = array<i32>} : memref<1664x32xf32, #tpu.memory_space<vmem>>, vector<16xf32>,
        %get3A_357 = arith.index_cast %add3A_350 : i32 to index
        %get3A_358 = arith.constant 0 : index
        %get3A_359 = tpu.vector_load %arg9[%get3A_357, %get3A_358] {strides = array<i32>} : memref<64x32xf32, #tpu.memory_space<vmem>>, vector<16xf32>,
        %get3A_360 = arith.index_cast %add3A_350 : i32 to index
        %get3A_361 = arith.constant 16 : index
        %get3A_362 = tpu.vector_load %arg9[%get3A_360, %get3A_361] {strides = array<i32>} : memref<64x32xf32, #tpu.memory_space<vmem>>, vector<16xf32>,
        %mul3A_363 = arith.mulf %get3A_353, %get3A_359 : vector<16xf32>
        %mul3A_364 = arith.mulf %get3A_356, %get3A_362 : vector<16xf32>
        %add3A_365 = arith.addf %mul3A_363, %mul3A_364 : vector<16xf32>
        %add3A_366 = arith.constant 1 : i32
        %add3A_367 = arith.addi %mul3A_344, %add3A_366 : i32
        %add3A_368 = arith.constant 1 : i32
        %add3A_369 = arith.addi %scan3A_342, %add3A_368 : i32
        %ge3A_370 = arith.constant 26 : i32
        %ge3A_371 = arith.cmpi sge, %add3A_369, %ge3A_370 : i32
        %convert_element_type3A_372 = arith.extui %ge3A_371 : i1 to i32
        %add3A_373 = arith.addi %scan3A_341, %convert_element_type3A_372 : i32
        %get3A_374 = arith.index_cast %add3A_367 : i32 to index
        %get3A_375 = arith.constant 0 : index
        %get3A_376 = tpu.vector_load %arg10[%get3A_374, %get3A_375] {strides = array<i32>} : memref<1664x32xf32, #tpu.memory_space<vmem>>, vector<16xf32>,
        %get3A_377 = arith.index_cast %add3A_367 : i32 to index
        %get3A_378 = arith.constant 16 : index
        %get3A_379 = tpu.vector_load %arg10[%get3A_377, %get3A_378] {strides = array<i32>} : memref<1664x32xf32, #tpu.memory_space<vmem>>, vector<16xf32>,
        %get3A_380 = arith.index_cast %add3A_373 : i32 to index
        %get3A_381 = arith.constant 0 : index
        %get3A_382 = tpu.vector_load %arg9[%get3A_380, %get3A_381] {strides = array<i32>} : memref<64x32xf32, #tpu.memory_space<vmem>>, vector<16xf32>,
        %get3A_383 = arith.index_cast %add3A_373 : i32 to index
        %get3A_384 = arith.constant 16 : index
        %get3A_385 = tpu.vector_load %arg9[%get3A_383, %get3A_384] {strides = array<i32>} : memref<64x32xf32, #tpu.memory_space<vmem>>, vector<16xf32>,
        %mul3A_386 = arith.mulf %get3A_376, %get3A_382 : vector<16xf32>
        %mul3A_387 = arith.mulf %get3A_379, %get3A_385 : vector<16xf32>
        %add3A_388 = arith.addf %mul3A_386, %mul3A_387 : vector<16xf32>
        %add3A_389 = arith.constant 2 : i32
        %add3A_390 = arith.addi %mul3A_344, %add3A_389 : i32
        %add3A_391 = arith.constant 2 : i32
        %add3A_392 = arith.addi %scan3A_342, %add3A_391 : i32
        %ge3A_393 = arith.constant 26 : i32
        %ge3A_394 = arith.cmpi sge, %add3A_392, %ge3A_393 : i32
        %convert_element_type3A_395 = arith.extui %ge3A_394 : i1 to i32
        %add3A_396 = arith.addi %scan3A_341, %convert_element_type3A_395 : i32
        %get3A_397 = arith.index_cast %add3A_390 : i32 to index
        %get3A_398 = arith.constant 0 : index
        %get3A_399 = tpu.vector_load %arg10[%get3A_397, %get3A_398] {strides = array<i32>} : memref<1664x32xf32, #tpu.memory_space<vmem>>, vector<16xf32>,
        %get3A_400 = arith.index_cast %add3A_390 : i32 to index
        %get3A_401 = arith.constant 16 : index
        %get3A_402 = tpu.vector_load %arg10[%get3A_400, %get3A_401] {strides = array<i32>} : memref<1664x32xf32, #tpu.memory_space<vmem>>, vector<16xf32>,
        %get3A_403 = arith.index_cast %add3A_396 : i32 to index
        %get3A_404 = arith.constant 0 : index
        %get3A_405 = tpu.vector_load %arg9[%get3A_403, %get3A_404] {strides = array<i32>} : memref<64x32xf32, #tpu.memory_space<vmem>>, vector<16xf32>,
        %get3A_406 = arith.index_cast %add3A_396 : i32 to index
        %get3A_407 = arith.constant 16 : index
        %get3A_408 = tpu.vector_load %arg9[%get3A_406, %get3A_407] {strides = array<i32>} : memref<64x32xf32, #tpu.memory_space<vmem>>, vector<16xf32>,
        %mul3A_409 = arith.mulf %get3A_399, %get3A_405 : vector<16xf32>
        %mul3A_410 = arith.mulf %get3A_402, %get3A_408 : vector<16xf32>
        %add3A_411 = arith.addf %mul3A_409, %mul3A_410 : vector<16xf32>
        %add3A_412 = arith.constant 3 : i32
        %add3A_413 = arith.addi %mul3A_344, %add3A_412 : i32
        %add3A_414 = arith.constant 3 : i32
        %add3A_415 = arith.addi %scan3A_342, %add3A_414 : i32
        %ge3A_416 = arith.constant 26 : i32
        %ge3A_417 = arith.cmpi sge, %add3A_415, %ge3A_416 : i32
        %convert_element_type3A_418 = arith.extui %ge3A_417 : i1 to i32
        %add3A_419 = arith.addi %scan3A_341, %convert_element_type3A_418 : i32
        %get3A_420 = arith.index_cast %add3A_413 : i32 to index
        %get3A_421 = arith.constant 0 : index
        %get3A_422 = tpu.vector_load %arg10[%get3A_420, %get3A_421] {strides = array<i32>} : memref<1664x32xf32, #tpu.memory_space<vmem>>, vector<16xf32>,
        %get3A_423 = arith.index_cast %add3A_413 : i32 to index
        %get3A_424 = arith.constant 16 : index
        %get3A_425 = tpu.vector_load %arg10[%get3A_423, %get3A_424] {strides = array<i32>} : memref<1664x32xf32, #tpu.memory_space<vmem>>, vector<16xf32>,
        %get3A_426 = arith.index_cast %add3A_419 : i32 to index
        %get3A_427 = arith.constant 0 : index
        %get3A_428 = tpu.vector_load %arg9[%get3A_426, %get3A_427] {strides = array<i32>} : memref<64x32xf32, #tpu.memory_space<vmem>>, vector<16xf32>,
        %get3A_429 = arith.index_cast %add3A_419 : i32 to index
        %get3A_430 = arith.constant 16 : index
        %get3A_431 = tpu.vector_load %arg9[%get3A_429, %get3A_430] {strides = array<i32>} : memref<64x32xf32, #tpu.memory_space<vmem>>, vector<16xf32>,
        %mul3A_432 = arith.mulf %get3A_422, %get3A_428 : vector<16xf32>
        %mul3A_433 = arith.mulf %get3A_425, %get3A_431 : vector<16xf32>
        %add3A_434 = arith.addf %mul3A_432, %mul3A_433 : vector<16xf32>
        %add3A_435 = arith.constant 4 : i32
        %add3A_436 = arith.addi %mul3A_344, %add3A_435 : i32
        %add3A_437 = arith.constant 4 : i32
        %add3A_438 = arith.addi %scan3A_342, %add3A_437 : i32
        %ge3A_439 = arith.constant 26 : i32
        %ge3A_440 = arith.cmpi sge, %add3A_438, %ge3A_439 : i32
        %convert_element_type3A_441 = arith.extui %ge3A_440 : i1 to i32
        %add3A_442 = arith.addi %scan3A_341, %convert_element_type3A_441 : i32
        %get3A_443 = arith.index_cast %add3A_436 : i32 to index
        %get3A_444 = arith.constant 0 : index
        %get3A_445 = tpu.vector_load %arg10[%get3A_443, %get3A_444] {strides = array<i32>} : memref<1664x32xf32, #tpu.memory_space<vmem>>, vector<16xf32>,
        %get3A_446 = arith.index_cast %add3A_436 : i32 to index
        %get3A_447 = arith.constant 16 : index
        %get3A_448 = tpu.vector_load %arg10[%get3A_446, %get3A_447] {strides = array<i32>} : memref<1664x32xf32, #tpu.memory_space<vmem>>, vector<16xf32>,
        %get3A_449 = arith.index_cast %add3A_442 : i32 to index
        %get3A_450 = arith.constant 0 : index
        %get3A_451 = tpu.vector_load %arg9[%get3A_449, %get3A_450] {strides = array<i32>} : memref<64x32xf32, #tpu.memory_space<vmem>>, vector<16xf32>,
        %get3A_452 = arith.index_cast %add3A_442 : i32 to index
        %get3A_453 = arith.constant 16 : index
        %get3A_454 = tpu.vector_load %arg9[%get3A_452, %get3A_453] {strides = array<i32>} : memref<64x32xf32, #tpu.memory_space<vmem>>, vector<16xf32>,
        %mul3A_455 = arith.mulf %get3A_445, %get3A_451 : vector<16xf32>
        %mul3A_456 = arith.mulf %get3A_448, %get3A_454 : vector<16xf32>
        %add3A_457 = arith.addf %mul3A_455, %mul3A_456 : vector<16xf32>
        %add3A_458 = arith.constant 5 : i32
        %add3A_459 = arith.addi %mul3A_344, %add3A_458 : i32
        %add3A_460 = arith.constant 5 : i32
        %add3A_461 = arith.addi %scan3A_342, %add3A_460 : i32
        %ge3A_462 = arith.constant 26 : i32
        %ge3A_463 = arith.cmpi sge, %add3A_461, %ge3A_462 : i32
        %convert_element_type3A_464 = arith.extui %ge3A_463 : i1 to i32
        %add3A_465 = arith.addi %scan3A_341, %convert_element_type3A_464 : i32
        %get3A_466 = arith.index_cast %add3A_459 : i32 to index
        %get3A_467 = arith.constant 0 : index
        %get3A_468 = tpu.vector_load %arg10[%get3A_466, %get3A_467] {strides = array<i32>} : memref<1664x32xf32, #tpu.memory_space<vmem>>, vector<16xf32>,
        %get3A_469 = arith.index_cast %add3A_459 : i32 to index
        %get3A_470 = arith.constant 16 : index
        %get3A_471 = tpu.vector_load %arg10[%get3A_469, %get3A_470] {strides = array<i32>} : memref<1664x32xf32, #tpu.memory_space<vmem>>, vector<16xf32>,
        %get3A_472 = arith.index_cast %add3A_465 : i32 to index
        %get3A_473 = arith.constant 0 : index
        %get3A_474 = tpu.vector_load %arg9[%get3A_472, %get3A_473] {strides = array<i32>} : memref<64x32xf32, #tpu.memory_space<vmem>>, vector<16xf32>,
        %get3A_475 = arith.index_cast %add3A_465 : i32 to index
        %get3A_476 = arith.constant 16 : index
        %get3A_477 = tpu.vector_load %arg9[%get3A_475, %get3A_476] {strides = array<i32>} : memref<64x32xf32, #tpu.memory_space<vmem>>, vector<16xf32>,
        %mul3A_478 = arith.mulf %get3A_468, %get3A_474 : vector<16xf32>
        %mul3A_479 = arith.mulf %get3A_471, %get3A_477 : vector<16xf32>
        %add3A_480 = arith.addf %mul3A_478, %mul3A_479 : vector<16xf32>
        %add3A_481 = arith.constant 6 : i32
        %add3A_482 = arith.addi %mul3A_344, %add3A_481 : i32
        %add3A_483 = arith.constant 6 : i32
        %add3A_484 = arith.addi %scan3A_342, %add3A_483 : i32
        %ge3A_485 = arith.constant 26 : i32
        %ge3A_486 = arith.cmpi sge, %add3A_484, %ge3A_485 : i32
        %convert_element_type3A_487 = arith.extui %ge3A_486 : i1 to i32
        %add3A_488 = arith.addi %scan3A_341, %convert_element_type3A_487 : i32
        %get3A_489 = arith.index_cast %add3A_482 : i32 to index
        %get3A_490 = arith.constant 0 : index
        %get3A_491 = tpu.vector_load %arg10[%get3A_489, %get3A_490] {strides = array<i32>} : memref<1664x32xf32, #tpu.memory_space<vmem>>, vector<16xf32>,
        %get3A_492 = arith.index_cast %add3A_482 : i32 to index
        %get3A_493 = arith.constant 16 : index
        %get3A_494 = tpu.vector_load %arg10[%get3A_492, %get3A_493] {strides = array<i32>} : memref<1664x32xf32, #tpu.memory_space<vmem>>, vector<16xf32>,
        %get3A_495 = arith.index_cast %add3A_488 : i32 to index
        %get3A_496 = arith.constant 0 : index
        %get3A_497 = tpu.vector_load %arg9[%get3A_495, %get3A_496] {strides = array<i32>} : memref<64x32xf32, #tpu.memory_space<vmem>>, vector<16xf32>,
        %get3A_498 = arith.index_cast %add3A_488 : i32 to index
        %get3A_499 = arith.constant 16 : index
        %get3A_500 = tpu.vector_load %arg9[%get3A_498, %get3A_499] {strides = array<i32>} : memref<64x32xf32, #tpu.memory_space<vmem>>, vector<16xf32>,
        %mul3A_501 = arith.mulf %get3A_491, %get3A_497 : vector<16xf32>
        %mul3A_502 = arith.mulf %get3A_494, %get3A_500 : vector<16xf32>
        %add3A_503 = arith.addf %mul3A_501, %mul3A_502 : vector<16xf32>
        %add3A_504 = arith.constant 7 : i32
        %add3A_505 = arith.addi %mul3A_344, %add3A_504 : i32
        %add3A_506 = arith.constant 7 : i32
        %add3A_507 = arith.addi %scan3A_342, %add3A_506 : i32
        %ge3A_508 = arith.constant 26 : i32
        %ge3A_509 = arith.cmpi sge, %add3A_507, %ge3A_508 : i32
        %convert_element_type3A_510 = arith.extui %ge3A_509 : i1 to i32
        %add3A_511 = arith.addi %scan3A_341, %convert_element_type3A_510 : i32
        %get3A_512 = arith.index_cast %add3A_505 : i32 to index
        %get3A_513 = arith.constant 0 : index
        %get3A_514 = tpu.vector_load %arg10[%get3A_512, %get3A_513] {strides = array<i32>} : memref<1664x32xf32, #tpu.memory_space<vmem>>, vector<16xf32>,
        %get3A_515 = arith.index_cast %add3A_505 : i32 to index
        %get3A_516 = arith.constant 16 : index
        %get3A_517 = tpu.vector_load %arg10[%get3A_515, %get3A_516] {strides = array<i32>} : memref<1664x32xf32, #tpu.memory_space<vmem>>, vector<16xf32>,
        %get3A_518 = arith.index_cast %add3A_511 : i32 to index
        %get3A_519 = arith.constant 0 : index
        %get3A_520 = tpu.vector_load %arg9[%get3A_518, %get3A_519] {strides = array<i32>} : memref<64x32xf32, #tpu.memory_space<vmem>>, vector<16xf32>,
        %get3A_521 = arith.index_cast %add3A_511 : i32 to index
        %get3A_522 = arith.constant 16 : index
        %get3A_523 = tpu.vector_load %arg9[%get3A_521, %get3A_522] {strides = array<i32>} : memref<64x32xf32, #tpu.memory_space<vmem>>, vector<16xf32>,
        %mul3A_524 = arith.mulf %get3A_514, %get3A_520 : vector<16xf32>
        %mul3A_525 = arith.mulf %get3A_517, %get3A_523 : vector<16xf32>
        %add3A_526 = arith.addf %mul3A_524, %mul3A_525 : vector<16xf32>
        %add3A_527 = arith.constant 8 : i32
        %add3A_528 = arith.addi %mul3A_344, %add3A_527 : i32
        %add3A_529 = arith.constant 8 : i32
        %add3A_530 = arith.addi %scan3A_342, %add3A_529 : i32
        %ge3A_531 = arith.constant 26 : i32
        %ge3A_532 = arith.cmpi sge, %add3A_530, %ge3A_531 : i32
        %convert_element_type3A_533 = arith.extui %ge3A_532 : i1 to i32
        %add3A_534 = arith.addi %scan3A_341, %convert_element_type3A_533 : i32
        %get3A_535 = arith.index_cast %add3A_528 : i32 to index
        %get3A_536 = arith.constant 0 : index
        %get3A_537 = tpu.vector_load %arg10[%get3A_535, %get3A_536] {strides = array<i32>} : memref<1664x32xf32, #tpu.memory_space<vmem>>, vector<16xf32>,
        %get3A_538 = arith.index_cast %add3A_528 : i32 to index
        %get3A_539 = arith.constant 16 : index
        %get3A_540 = tpu.vector_load %arg10[%get3A_538, %get3A_539] {strides = array<i32>} : memref<1664x32xf32, #tpu.memory_space<vmem>>, vector<16xf32>,
        %get3A_541 = arith.index_cast %add3A_534 : i32 to index
        %get3A_542 = arith.constant 0 : index
        %get3A_543 = tpu.vector_load %arg9[%get3A_541, %get3A_542] {strides = array<i32>} : memref<64x32xf32, #tpu.memory_space<vmem>>, vector<16xf32>,
        %get3A_544 = arith.index_cast %add3A_534 : i32 to index
        %get3A_545 = arith.constant 16 : index
        %get3A_546 = tpu.vector_load %arg9[%get3A_544, %get3A_545] {strides = array<i32>} : memref<64x32xf32, #tpu.memory_space<vmem>>, vector<16xf32>,
        %mul3A_547 = arith.mulf %get3A_537, %get3A_543 : vector<16xf32>
        %mul3A_548 = arith.mulf %get3A_540, %get3A_546 : vector<16xf32>
        %add3A_549 = arith.addf %mul3A_547, %mul3A_548 : vector<16xf32>
        %add3A_550 = arith.constant 9 : i32
        %add3A_551 = arith.addi %mul3A_344, %add3A_550 : i32
        %add3A_552 = arith.constant 9 : i32
        %add3A_553 = arith.addi %scan3A_342, %add3A_552 : i32
        %ge3A_554 = arith.constant 26 : i32
        %ge3A_555 = arith.cmpi sge, %add3A_553, %ge3A_554 : i32
        %convert_element_type3A_556 = arith.extui %ge3A_555 : i1 to i32
        %add3A_557 = arith.addi %scan3A_341, %convert_element_type3A_556 : i32
        %get3A_558 = arith.index_cast %add3A_551 : i32 to index
        %get3A_559 = arith.constant 0 : index
        %get3A_560 = tpu.vector_load %arg10[%get3A_558, %get3A_559] {strides = array<i32>} : memref<1664x32xf32, #tpu.memory_space<vmem>>, vector<16xf32>,
        %get3A_561 = arith.index_cast %add3A_551 : i32 to index
        %get3A_562 = arith.constant 16 : index
        %get3A_563 = tpu.vector_load %arg10[%get3A_561, %get3A_562] {strides = array<i32>} : memref<1664x32xf32, #tpu.memory_space<vmem>>, vector<16xf32>,
        %get3A_564 = arith.index_cast %add3A_557 : i32 to index
        %get3A_565 = arith.constant 0 : index
        %get3A_566 = tpu.vector_load %arg9[%get3A_564, %get3A_565] {strides = array<i32>} : memref<64x32xf32, #tpu.memory_space<vmem>>, vector<16xf32>,
        %get3A_567 = arith.index_cast %add3A_557 : i32 to index
        %get3A_568 = arith.constant 16 : index
        %get3A_569 = tpu.vector_load %arg9[%get3A_567, %get3A_568] {strides = array<i32>} : memref<64x32xf32, #tpu.memory_space<vmem>>, vector<16xf32>,
        %mul3A_570 = arith.mulf %get3A_560, %get3A_566 : vector<16xf32>
        %mul3A_571 = arith.mulf %get3A_563, %get3A_569 : vector<16xf32>
        %add3A_572 = arith.addf %mul3A_570, %mul3A_571 : vector<16xf32>
        %add3A_573 = arith.constant 10 : i32
        %add3A_574 = arith.addi %mul3A_344, %add3A_573 : i32
        %add3A_575 = arith.constant 10 : i32
        %add3A_576 = arith.addi %scan3A_342, %add3A_575 : i32
        %ge3A_577 = arith.constant 26 : i32
        %ge3A_578 = arith.cmpi sge, %add3A_576, %ge3A_577 : i32
        %convert_element_type3A_579 = arith.extui %ge3A_578 : i1 to i32
        %add3A_580 = arith.addi %scan3A_341, %convert_element_type3A_579 : i32
        %get3A_581 = arith.index_cast %add3A_574 : i32 to index
        %get3A_582 = arith.constant 0 : index
        %get3A_583 = tpu.vector_load %arg10[%get3A_581, %get3A_582] {strides = array<i32>} : memref<1664x32xf32, #tpu.memory_space<vmem>>, vector<16xf32>,
        %get3A_584 = arith.index_cast %add3A_574 : i32 to index
        %get3A_585 = arith.constant 16 : index
        %get3A_586 = tpu.vector_load %arg10[%get3A_584, %get3A_585] {strides = array<i32>} : memref<1664x32xf32, #tpu.memory_space<vmem>>, vector<16xf32>,
        %get3A_587 = arith.index_cast %add3A_580 : i32 to index
        %get3A_588 = arith.constant 0 : index
        %get3A_589 = tpu.vector_load %arg9[%get3A_587, %get3A_588] {strides = array<i32>} : memref<64x32xf32, #tpu.memory_space<vmem>>, vector<16xf32>,
        %get3A_590 = arith.index_cast %add3A_580 : i32 to index
        %get3A_591 = arith.constant 16 : index
        %get3A_592 = tpu.vector_load %arg9[%get3A_590, %get3A_591] {strides = array<i32>} : memref<64x32xf32, #tpu.memory_space<vmem>>, vector<16xf32>,
        %mul3A_593 = arith.mulf %get3A_583, %get3A_589 : vector<16xf32>
        %mul3A_594 = arith.mulf %get3A_586, %get3A_592 : vector<16xf32>
        %add3A_595 = arith.addf %mul3A_593, %mul3A_594 : vector<16xf32>
        %add3A_596 = arith.constant 11 : i32
        %add3A_597 = arith.addi %mul3A_344, %add3A_596 : i32
        %add3A_598 = arith.constant 11 : i32
        %add3A_599 = arith.addi %scan3A_342, %add3A_598 : i32
        %ge3A_600 = arith.constant 26 : i32
        %ge3A_601 = arith.cmpi sge, %add3A_599, %ge3A_600 : i32
        %convert_element_type3A_602 = arith.extui %ge3A_601 : i1 to i32
        %add3A_603 = arith.addi %scan3A_341, %convert_element_type3A_602 : i32
        %get3A_604 = arith.index_cast %add3A_597 : i32 to index
        %get3A_605 = arith.constant 0 : index
        %get3A_606 = tpu.vector_load %arg10[%get3A_604, %get3A_605] {strides = array<i32>} : memref<1664x32xf32, #tpu.memory_space<vmem>>, vector<16xf32>,
        %get3A_607 = arith.index_cast %add3A_597 : i32 to index
        %get3A_608 = arith.constant 16 : index
        %get3A_609 = tpu.vector_load %arg10[%get3A_607, %get3A_608] {strides = array<i32>} : memref<1664x32xf32, #tpu.memory_space<vmem>>, vector<16xf32>,
        %get3A_610 = arith.index_cast %add3A_603 : i32 to index
        %get3A_611 = arith.constant 0 : index
        %get3A_612 = tpu.vector_load %arg9[%get3A_610, %get3A_611] {strides = array<i32>} : memref<64x32xf32, #tpu.memory_space<vmem>>, vector<16xf32>,
        %get3A_613 = arith.index_cast %add3A_603 : i32 to index
        %get3A_614 = arith.constant 16 : index
        %get3A_615 = tpu.vector_load %arg9[%get3A_613, %get3A_614] {strides = array<i32>} : memref<64x32xf32, #tpu.memory_space<vmem>>, vector<16xf32>,
        %mul3A_616 = arith.mulf %get3A_606, %get3A_612 : vector<16xf32>
        %mul3A_617 = arith.mulf %get3A_609, %get3A_615 : vector<16xf32>
        %add3A_618 = arith.addf %mul3A_616, %mul3A_617 : vector<16xf32>
        %add3A_619 = arith.constant 12 : i32
        %add3A_620 = arith.addi %mul3A_344, %add3A_619 : i32
        %add3A_621 = arith.constant 12 : i32
        %add3A_622 = arith.addi %scan3A_342, %add3A_621 : i32
        %ge3A_623 = arith.constant 26 : i32
        %ge3A_624 = arith.cmpi sge, %add3A_622, %ge3A_623 : i32
        %convert_element_type3A_625 = arith.extui %ge3A_624 : i1 to i32
        %add3A_626 = arith.addi %scan3A_341, %convert_element_type3A_625 : i32
        %get3A_627 = arith.index_cast %add3A_620 : i32 to index
        %get3A_628 = arith.constant 0 : index
        %get3A_629 = tpu.vector_load %arg10[%get3A_627, %get3A_628] {strides = array<i32>} : memref<1664x32xf32, #tpu.memory_space<vmem>>, vector<16xf32>,
        %get3A_630 = arith.index_cast %add3A_620 : i32 to index
        %get3A_631 = arith.constant 16 : index
        %get3A_632 = tpu.vector_load %arg10[%get3A_630, %get3A_631] {strides = array<i32>} : memref<1664x32xf32, #tpu.memory_space<vmem>>, vector<16xf32>,
        %get3A_633 = arith.index_cast %add3A_626 : i32 to index
        %get3A_634 = arith.constant 0 : index
        %get3A_635 = tpu.vector_load %arg9[%get3A_633, %get3A_634] {strides = array<i32>} : memref<64x32xf32, #tpu.memory_space<vmem>>, vector<16xf32>,
        %get3A_636 = arith.index_cast %add3A_626 : i32 to index
        %get3A_637 = arith.constant 16 : index
        %get3A_638 = tpu.vector_load %arg9[%get3A_636, %get3A_637] {strides = array<i32>} : memref<64x32xf32, #tpu.memory_space<vmem>>, vector<16xf32>,
        %mul3A_639 = arith.mulf %get3A_629, %get3A_635 : vector<16xf32>
        %mul3A_640 = arith.mulf %get3A_632, %get3A_638 : vector<16xf32>
        %add3A_641 = arith.addf %mul3A_639, %mul3A_640 : vector<16xf32>
        %add3A_642 = arith.constant 13 : i32
        %add3A_643 = arith.addi %mul3A_344, %add3A_642 : i32
        %add3A_644 = arith.constant 13 : i32
        %add3A_645 = arith.addi %scan3A_342, %add3A_644 : i32
        %ge3A_646 = arith.constant 26 : i32
        %ge3A_647 = arith.cmpi sge, %add3A_645, %ge3A_646 : i32
        %convert_element_type3A_648 = arith.extui %ge3A_647 : i1 to i32
        %add3A_649 = arith.addi %scan3A_341, %convert_element_type3A_648 : i32
        %get3A_650 = arith.index_cast %add3A_643 : i32 to index
        %get3A_651 = arith.constant 0 : index
        %get3A_652 = tpu.vector_load %arg10[%get3A_650, %get3A_651] {strides = array<i32>} : memref<1664x32xf32, #tpu.memory_space<vmem>>, vector<16xf32>,
        %get3A_653 = arith.index_cast %add3A_643 : i32 to index
        %get3A_654 = arith.constant 16 : index
        %get3A_655 = tpu.vector_load %arg10[%get3A_653, %get3A_654] {strides = array<i32>} : memref<1664x32xf32, #tpu.memory_space<vmem>>, vector<16xf32>,
        %get3A_656 = arith.index_cast %add3A_649 : i32 to index
        %get3A_657 = arith.constant 0 : index
        %get3A_658 = tpu.vector_load %arg9[%get3A_656, %get3A_657] {strides = array<i32>} : memref<64x32xf32, #tpu.memory_space<vmem>>, vector<16xf32>,
        %get3A_659 = arith.index_cast %add3A_649 : i32 to index
        %get3A_660 = arith.constant 16 : index
        %get3A_661 = tpu.vector_load %arg9[%get3A_659, %get3A_660] {strides = array<i32>} : memref<64x32xf32, #tpu.memory_space<vmem>>, vector<16xf32>,
        %mul3A_662 = arith.mulf %get3A_652, %get3A_658 : vector<16xf32>
        %mul3A_663 = arith.mulf %get3A_655, %get3A_661 : vector<16xf32>
        %add3A_664 = arith.addf %mul3A_662, %mul3A_663 : vector<16xf32>
        %add3A_665 = arith.constant 14 : i32
        %add3A_666 = arith.addi %mul3A_344, %add3A_665 : i32
        %add3A_667 = arith.constant 14 : i32
        %add3A_668 = arith.addi %scan3A_342, %add3A_667 : i32
        %ge3A_669 = arith.constant 26 : i32
        %ge3A_670 = arith.cmpi sge, %add3A_668, %ge3A_669 : i32
        %convert_element_type3A_671 = arith.extui %ge3A_670 : i1 to i32
        %add3A_672 = arith.addi %scan3A_341, %convert_element_type3A_671 : i32
        %get3A_673 = arith.index_cast %add3A_666 : i32 to index
        %get3A_674 = arith.constant 0 : index
        %get3A_675 = tpu.vector_load %arg10[%get3A_673, %get3A_674] {strides = array<i32>} : memref<1664x32xf32, #tpu.memory_space<vmem>>, vector<16xf32>,
        %get3A_676 = arith.index_cast %add3A_666 : i32 to index
        %get3A_677 = arith.constant 16 : index
        %get3A_678 = tpu.vector_load %arg10[%get3A_676, %get3A_677] {strides = array<i32>} : memref<1664x32xf32, #tpu.memory_space<vmem>>, vector<16xf32>,
        %get3A_679 = arith.index_cast %add3A_672 : i32 to index
        %get3A_680 = arith.constant 0 : index
        %get3A_681 = tpu.vector_load %arg9[%get3A_679, %get3A_680] {strides = array<i32>} : memref<64x32xf32, #tpu.memory_space<vmem>>, vector<16xf32>,
        %get3A_682 = arith.index_cast %add3A_672 : i32 to index
        %get3A_683 = arith.constant 16 : index
        %get3A_684 = tpu.vector_load %arg9[%get3A_682, %get3A_683] {strides = array<i32>} : memref<64x32xf32, #tpu.memory_space<vmem>>, vector<16xf32>,
        %mul3A_685 = arith.mulf %get3A_675, %get3A_681 : vector<16xf32>
        %mul3A_686 = arith.mulf %get3A_678, %get3A_684 : vector<16xf32>
        %add3A_687 = arith.addf %mul3A_685, %mul3A_686 : vector<16xf32>
        %add3A_688 = arith.constant 15 : i32
        %add3A_689 = arith.addi %mul3A_344, %add3A_688 : i32
        %add3A_690 = arith.constant 15 : i32
        %add3A_691 = arith.addi %scan3A_342, %add3A_690 : i32
        %ge3A_692 = arith.constant 26 : i32
        %ge3A_693 = arith.cmpi sge, %add3A_691, %ge3A_692 : i32
        %convert_element_type3A_694 = arith.extui %ge3A_693 : i1 to i32
        %add3A_695 = arith.addi %scan3A_341, %convert_element_type3A_694 : i32
        %get3A_696 = arith.index_cast %add3A_689 : i32 to index
        %get3A_697 = arith.constant 0 : index
        %get3A_698 = tpu.vector_load %arg10[%get3A_696, %get3A_697] {strides = array<i32>} : memref<1664x32xf32, #tpu.memory_space<vmem>>, vector<16xf32>,
        %get3A_699 = arith.index_cast %add3A_689 : i32 to index
        %get3A_700 = arith.constant 16 : index
        %get3A_701 = tpu.vector_load %arg10[%get3A_699, %get3A_700] {strides = array<i32>} : memref<1664x32xf32, #tpu.memory_space<vmem>>, vector<16xf32>,
        %get3A_702 = arith.index_cast %add3A_695 : i32 to index
        %get3A_703 = arith.constant 0 : index
        %get3A_704 = tpu.vector_load %arg9[%get3A_702, %get3A_703] {strides = array<i32>} : memref<64x32xf32, #tpu.memory_space<vmem>>, vector<16xf32>,
        %get3A_705 = arith.index_cast %add3A_695 : i32 to index
        %get3A_706 = arith.constant 16 : index
        %get3A_707 = tpu.vector_load %arg9[%get3A_705, %get3A_706] {strides = array<i32>} : memref<64x32xf32, #tpu.memory_space<vmem>>, vector<16xf32>,
        %mul3A_708 = arith.mulf %get3A_698, %get3A_704 : vector<16xf32>
        %mul3A_709 = arith.mulf %get3A_701, %get3A_707 : vector<16xf32>
        %add3A_710 = arith.addf %mul3A_708, %mul3A_709 : vector<16xf32>
        %broadcast_in_dim3A_711 = vector.shape_cast %xor3A_13 : vector<16xi32> to vector<16x1xi32>
        %gather3A = vector.shape_cast %broadcast_in_dim3A_711 : vector<16x1xi32> to vector<16xi32>
        %gather3A_712 = tpu.dynamic_gather %add3A_365[%gather3A] in [0] : vector<16xf32>, vector<16xi32> -> vector<16xf32>
        %add3A_713 = arith.addf %add3A_365, %gather3A_712 : vector<16xf32>
        %broadcast_in_dim3A_714 = vector.shape_cast %xor3A_13 : vector<16xi32> to vector<16x1xi32>
        %gather3A_715 = vector.shape_cast %broadcast_in_dim3A_714 : vector<16x1xi32> to vector<16xi32>
        %gather3A_716 = tpu.dynamic_gather %add3A_388[%gather3A_715] in [0] : vector<16xf32>, vector<16xi32> -> vector<16xf32>
        %add3A_717 = arith.addf %add3A_388, %gather3A_716 : vector<16xf32>
        %select_n3A = arith.select %ne3A_26, %add3A_717, %add3A_713 : vector<16xi1>, vector<16xf32>
        %broadcast_in_dim3A_718 = vector.shape_cast %xor3A_13 : vector<16xi32> to vector<16x1xi32>
        %gather3A_719 = vector.shape_cast %broadcast_in_dim3A_718 : vector<16x1xi32> to vector<16xi32>
        %gather3A_720 = tpu.dynamic_gather %add3A_411[%gather3A_719] in [0] : vector<16xf32>, vector<16xi32> -> vector<16xf32>
        %add3A_721 = arith.addf %add3A_411, %gather3A_720 : vector<16xf32>
        %broadcast_in_dim3A_722 = vector.shape_cast %xor3A_13 : vector<16xi32> to vector<16x1xi32>
        %gather3A_723 = vector.shape_cast %broadcast_in_dim3A_722 : vector<16x1xi32> to vector<16xi32>
        %gather3A_724 = tpu.dynamic_gather %add3A_434[%gather3A_723] in [0] : vector<16xf32>, vector<16xi32> -> vector<16xf32>
        %add3A_725 = arith.addf %add3A_434, %gather3A_724 : vector<16xf32>
        %select_n3A_726 = arith.select %ne3A_26, %add3A_725, %add3A_721 : vector<16xi1>, vector<16xf32>
        %broadcast_in_dim3A_727 = vector.shape_cast %xor3A_13 : vector<16xi32> to vector<16x1xi32>
        %gather3A_728 = vector.shape_cast %broadcast_in_dim3A_727 : vector<16x1xi32> to vector<16xi32>
        %gather3A_729 = tpu.dynamic_gather %add3A_457[%gather3A_728] in [0] : vector<16xf32>, vector<16xi32> -> vector<16xf32>
        %add3A_730 = arith.addf %add3A_457, %gather3A_729 : vector<16xf32>
        %broadcast_in_dim3A_731 = vector.shape_cast %xor3A_13 : vector<16xi32> to vector<16x1xi32>
        %gather3A_732 = vector.shape_cast %broadcast_in_dim3A_731 : vector<16x1xi32> to vector<16xi32>
        %gather3A_733 = tpu.dynamic_gather %add3A_480[%gather3A_732] in [0] : vector<16xf32>, vector<16xi32> -> vector<16xf32>
        %add3A_734 = arith.addf %add3A_480, %gather3A_733 : vector<16xf32>
        %select_n3A_735 = arith.select %ne3A_26, %add3A_734, %add3A_730 : vector<16xi1>, vector<16xf32>
        %broadcast_in_dim3A_736 = vector.shape_cast %xor3A_13 : vector<16xi32> to vector<16x1xi32>
        %gather3A_737 = vector.shape_cast %broadcast_in_dim3A_736 : vector<16x1xi32> to vector<16xi32>
        %gather3A_738 = tpu.dynamic_gather %add3A_503[%gather3A_737] in [0] : vector<16xf32>, vector<16xi32> -> vector<16xf32>
        %add3A_739 = arith.addf %add3A_503, %gather3A_738 : vector<16xf32>
        %broadcast_in_dim3A_740 = vector.shape_cast %xor3A_13 : vector<16xi32> to vector<16x1xi32>
        %gather3A_741 = vector.shape_cast %broadcast_in_dim3A_740 : vector<16x1xi32> to vector<16xi32>
        %gather3A_742 = tpu.dynamic_gather %add3A_526[%gather3A_741] in [0] : vector<16xf32>, vector<16xi32> -> vector<16xf32>
        %add3A_743 = arith.addf %add3A_526, %gather3A_742 : vector<16xf32>
        %select_n3A_744 = arith.select %ne3A_26, %add3A_743, %add3A_739 : vector<16xi1>, vector<16xf32>
        %broadcast_in_dim3A_745 = vector.shape_cast %xor3A_13 : vector<16xi32> to vector<16x1xi32>
        %gather3A_746 = vector.shape_cast %broadcast_in_dim3A_745 : vector<16x1xi32> to vector<16xi32>
        %gather3A_747 = tpu.dynamic_gather %add3A_549[%gather3A_746] in [0] : vector<16xf32>, vector<16xi32> -> vector<16xf32>
        %add3A_748 = arith.addf %add3A_549, %gather3A_747 : vector<16xf32>
        %broadcast_in_dim3A_749 = vector.shape_cast %xor3A_13 : vector<16xi32> to vector<16x1xi32>
        %gather3A_750 = vector.shape_cast %broadcast_in_dim3A_749 : vector<16x1xi32> to vector<16xi32>
        %gather3A_751 = tpu.dynamic_gather %add3A_572[%gather3A_750] in [0] : vector<16xf32>, vector<16xi32> -> vector<16xf32>
        %add3A_752 = arith.addf %add3A_572, %gather3A_751 : vector<16xf32>
        %select_n3A_753 = arith.select %ne3A_26, %add3A_752, %add3A_748 : vector<16xi1>, vector<16xf32>
        %broadcast_in_dim3A_754 = vector.shape_cast %xor3A_13 : vector<16xi32> to vector<16x1xi32>
        %gather3A_755 = vector.shape_cast %broadcast_in_dim3A_754 : vector<16x1xi32> to vector<16xi32>
        %gather3A_756 = tpu.dynamic_gather %add3A_595[%gather3A_755] in [0] : vector<16xf32>, vector<16xi32> -> vector<16xf32>
        %add3A_757 = arith.addf %add3A_595, %gather3A_756 : vector<16xf32>
        %broadcast_in_dim3A_758 = vector.shape_cast %xor3A_13 : vector<16xi32> to vector<16x1xi32>
        %gather3A_759 = vector.shape_cast %broadcast_in_dim3A_758 : vector<16x1xi32> to vector<16xi32>
        %gather3A_760 = tpu.dynamic_gather %add3A_618[%gather3A_759] in [0] : vector<16xf32>, vector<16xi32> -> vector<16xf32>
        %add3A_761 = arith.addf %add3A_618, %gather3A_760 : vector<16xf32>
        %select_n3A_762 = arith.select %ne3A_26, %add3A_761, %add3A_757 : vector<16xi1>, vector<16xf32>
        %broadcast_in_dim3A_763 = vector.shape_cast %xor3A_13 : vector<16xi32> to vector<16x1xi32>
        %gather3A_764 = vector.shape_cast %broadcast_in_dim3A_763 : vector<16x1xi32> to vector<16xi32>
        %gather3A_765 = tpu.dynamic_gather %add3A_641[%gather3A_764] in [0] : vector<16xf32>, vector<16xi32> -> vector<16xf32>
        %add3A_766 = arith.addf %add3A_641, %gather3A_765 : vector<16xf32>
        %broadcast_in_dim3A_767 = vector.shape_cast %xor3A_13 : vector<16xi32> to vector<16x1xi32>
        %gather3A_768 = vector.shape_cast %broadcast_in_dim3A_767 : vector<16x1xi32> to vector<16xi32>
        %gather3A_769 = tpu.dynamic_gather %add3A_664[%gather3A_768] in [0] : vector<16xf32>, vector<16xi32> -> vector<16xf32>
        %add3A_770 = arith.addf %add3A_664, %gather3A_769 : vector<16xf32>
        %select_n3A_771 = arith.select %ne3A_26, %add3A_770, %add3A_766 : vector<16xi1>, vector<16xf32>
        %broadcast_in_dim3A_772 = vector.shape_cast %xor3A_13 : vector<16xi32> to vector<16x1xi32>
        %gather3A_773 = vector.shape_cast %broadcast_in_dim3A_772 : vector<16x1xi32> to vector<16xi32>
        %gather3A_774 = tpu.dynamic_gather %add3A_687[%gather3A_773] in [0] : vector<16xf32>, vector<16xi32> -> vector<16xf32>
        %add3A_775 = arith.addf %add3A_687, %gather3A_774 : vector<16xf32>
        %broadcast_in_dim3A_776 = vector.shape_cast %xor3A_13 : vector<16xi32> to vector<16x1xi32>
        %gather3A_777 = vector.shape_cast %broadcast_in_dim3A_776 : vector<16x1xi32> to vector<16xi32>
        %gather3A_778 = tpu.dynamic_gather %add3A_710[%gather3A_777] in [0] : vector<16xf32>, vector<16xi32> -> vector<16xf32>
        %add3A_779 = arith.addf %add3A_710, %gather3A_778 : vector<16xf32>
        %select_n3A_780 = arith.select %ne3A_26, %add3A_779, %add3A_775 : vector<16xi1>, vector<16xf32>
        %broadcast_in_dim3A_781 = vector.shape_cast %xor3A_16 : vector<16xi32> to vector<16x1xi32>
        %gather3A_782 = vector.shape_cast %broadcast_in_dim3A_781 : vector<16x1xi32> to vector<16xi32>
        %gather3A_783 = tpu.dynamic_gather %select_n3A[%gather3A_782] in [0] : vector<16xf32>, vector<16xi32> -> vector<16xf32>
        %add3A_784 = arith.addf %select_n3A, %gather3A_783 : vector<16xf32>
        %broadcast_in_dim3A_785 = vector.shape_cast %xor3A_16 : vector<16xi32> to vector<16x1xi32>
        %gather3A_786 = vector.shape_cast %broadcast_in_dim3A_785 : vector<16x1xi32> to vector<16xi32>
        %gather3A_787 = tpu.dynamic_gather %select_n3A_726[%gather3A_786] in [0] : vector<16xf32>, vector<16xi32> -> vector<16xf32>
        %add3A_788 = arith.addf %select_n3A_726, %gather3A_787 : vector<16xf32>
        %select_n3A_789 = arith.select %ne3A_32, %add3A_788, %add3A_784 : vector<16xi1>, vector<16xf32>
        %broadcast_in_dim3A_790 = vector.shape_cast %xor3A_16 : vector<16xi32> to vector<16x1xi32>
        %gather3A_791 = vector.shape_cast %broadcast_in_dim3A_790 : vector<16x1xi32> to vector<16xi32>
        %gather3A_792 = tpu.dynamic_gather %select_n3A_735[%gather3A_791] in [0] : vector<16xf32>, vector<16xi32> -> vector<16xf32>
        %add3A_793 = arith.addf %select_n3A_735, %gather3A_792 : vector<16xf32>
        %broadcast_in_dim3A_794 = vector.shape_cast %xor3A_16 : vector<16xi32> to vector<16x1xi32>
        %gather3A_795 = vector.shape_cast %broadcast_in_dim3A_794 : vector<16x1xi32> to vector<16xi32>
        %gather3A_796 = tpu.dynamic_gather %select_n3A_744[%gather3A_795] in [0] : vector<16xf32>, vector<16xi32> -> vector<16xf32>
        %add3A_797 = arith.addf %select_n3A_744, %gather3A_796 : vector<16xf32>
        %select_n3A_798 = arith.select %ne3A_32, %add3A_797, %add3A_793 : vector<16xi1>, vector<16xf32>
        %broadcast_in_dim3A_799 = vector.shape_cast %xor3A_16 : vector<16xi32> to vector<16x1xi32>
        %gather3A_800 = vector.shape_cast %broadcast_in_dim3A_799 : vector<16x1xi32> to vector<16xi32>
        %gather3A_801 = tpu.dynamic_gather %select_n3A_753[%gather3A_800] in [0] : vector<16xf32>, vector<16xi32> -> vector<16xf32>
        %add3A_802 = arith.addf %select_n3A_753, %gather3A_801 : vector<16xf32>
        %broadcast_in_dim3A_803 = vector.shape_cast %xor3A_16 : vector<16xi32> to vector<16x1xi32>
        %gather3A_804 = vector.shape_cast %broadcast_in_dim3A_803 : vector<16x1xi32> to vector<16xi32>
        %gather3A_805 = tpu.dynamic_gather %select_n3A_762[%gather3A_804] in [0] : vector<16xf32>, vector<16xi32> -> vector<16xf32>
        %add3A_806 = arith.addf %select_n3A_762, %gather3A_805 : vector<16xf32>
        %select_n3A_807 = arith.select %ne3A_32, %add3A_806, %add3A_802 : vector<16xi1>, vector<16xf32>
        %broadcast_in_dim3A_808 = vector.shape_cast %xor3A_16 : vector<16xi32> to vector<16x1xi32>
        %gather3A_809 = vector.shape_cast %broadcast_in_dim3A_808 : vector<16x1xi32> to vector<16xi32>
        %gather3A_810 = tpu.dynamic_gather %select_n3A_771[%gather3A_809] in [0] : vector<16xf32>, vector<16xi32> -> vector<16xf32>
        %add3A_811 = arith.addf %select_n3A_771, %gather3A_810 : vector<16xf32>
        %broadcast_in_dim3A_812 = vector.shape_cast %xor3A_16 : vector<16xi32> to vector<16x1xi32>
        %gather3A_813 = vector.shape_cast %broadcast_in_dim3A_812 : vector<16x1xi32> to vector<16xi32>
        %gather3A_814 = tpu.dynamic_gather %select_n3A_780[%gather3A_813] in [0] : vector<16xf32>, vector<16xi32> -> vector<16xf32>
        %add3A_815 = arith.addf %select_n3A_780, %gather3A_814 : vector<16xf32>
        %select_n3A_816 = arith.select %ne3A_32, %add3A_815, %add3A_811 : vector<16xi1>, vector<16xf32>
        %broadcast_in_dim3A_817 = vector.shape_cast %xor3A_19 : vector<16xi32> to vector<16x1xi32>
        %gather3A_818 = vector.shape_cast %broadcast_in_dim3A_817 : vector<16x1xi32> to vector<16xi32>
        %gather3A_819 = tpu.dynamic_gather %select_n3A_789[%gather3A_818] in [0] : vector<16xf32>, vector<16xi32> -> vector<16xf32>
        %add3A_820 = arith.addf %select_n3A_789, %gather3A_819 : vector<16xf32>
        %broadcast_in_dim3A_821 = vector.shape_cast %xor3A_19 : vector<16xi32> to vector<16x1xi32>
        %gather3A_822 = vector.shape_cast %broadcast_in_dim3A_821 : vector<16x1xi32> to vector<16xi32>
        %gather3A_823 = tpu.dynamic_gather %select_n3A_798[%gather3A_822] in [0] : vector<16xf32>, vector<16xi32> -> vector<16xf32>
        %add3A_824 = arith.addf %select_n3A_798, %gather3A_823 : vector<16xf32>
        %select_n3A_825 = arith.select %ne3A_38, %add3A_824, %add3A_820 : vector<16xi1>, vector<16xf32>
        %broadcast_in_dim3A_826 = vector.shape_cast %xor3A_19 : vector<16xi32> to vector<16x1xi32>
        %gather3A_827 = vector.shape_cast %broadcast_in_dim3A_826 : vector<16x1xi32> to vector<16xi32>
        %gather3A_828 = tpu.dynamic_gather %select_n3A_807[%gather3A_827] in [0] : vector<16xf32>, vector<16xi32> -> vector<16xf32>
        %add3A_829 = arith.addf %select_n3A_807, %gather3A_828 : vector<16xf32>
        %broadcast_in_dim3A_830 = vector.shape_cast %xor3A_19 : vector<16xi32> to vector<16x1xi32>
        %gather3A_831 = vector.shape_cast %broadcast_in_dim3A_830 : vector<16x1xi32> to vector<16xi32>
        %gather3A_832 = tpu.dynamic_gather %select_n3A_816[%gather3A_831] in [0] : vector<16xf32>, vector<16xi32> -> vector<16xf32>
        %add3A_833 = arith.addf %select_n3A_816, %gather3A_832 : vector<16xf32>
        %select_n3A_834 = arith.select %ne3A_38, %add3A_833, %add3A_829 : vector<16xi1>, vector<16xf32>
        %broadcast_in_dim3A_835 = vector.shape_cast %xor3A_22 : vector<16xi32> to vector<16x1xi32>
        %gather3A_836 = vector.shape_cast %broadcast_in_dim3A_835 : vector<16x1xi32> to vector<16xi32>
        %gather3A_837 = tpu.dynamic_gather %select_n3A_825[%gather3A_836] in [0] : vector<16xf32>, vector<16xi32> -> vector<16xf32>
        %add3A_838 = arith.addf %select_n3A_825, %gather3A_837 : vector<16xf32>
        %broadcast_in_dim3A_839 = vector.shape_cast %xor3A_22 : vector<16xi32> to vector<16x1xi32>
        %gather3A_840 = vector.shape_cast %broadcast_in_dim3A_839 : vector<16x1xi32> to vector<16xi32>
        %gather3A_841 = tpu.dynamic_gather %select_n3A_834[%gather3A_840] in [0] : vector<16xf32>, vector<16xi32> -> vector<16xf32>
        %add3A_842 = arith.addf %select_n3A_834, %gather3A_841 : vector<16xf32>
        %select_n3A_843 = arith.select %ne3A_44, %add3A_842, %add3A_838 : vector<16xi1>, vector<16xf32>
        %shift_right_logical3A = arith.constant 3 : i32
        %shift_right_logical3A_844 = arith.shrui %scan3A_340, %shift_right_logical3A : i32
        %rem3A = arith.constant 8 : i32
        %rem3A_845 = arith.remsi %scan3A_340, %rem3A : i32
        %shift_left3A = arith.constant 4 : i32
        %shift_left3A_846 = arith.shli %rem3A_845, %shift_left3A : i32
        %get3A_847 = arith.index_cast %shift_right_logical3A_844 : i32 to index
        %get3A_848 = arith.index_cast %shift_left3A_846 : i32 to index
        %get3A_849 = tpu.vector_load %arg8[%get3A_847, %get3A_848] {strides = array<i32>} : memref<13x128xi32, #tpu.memory_space<vmem>>, vector<16xi32>,
        %add3A_850 = vector.broadcast %scan3A_342 : i32 to vector<16xi32>
        %add3A_851 = arith.addi %add3A_850, %iota3A : vector<16xi32>
        %ge3A_852 = arith.constant 26 : i32
        %ge3A_853 = vector.broadcast %ge3A_852 : i32 to vector<16xi32>
        %ge3A_854 = arith.cmpi sge, %add3A_851, %ge3A_853 : vector<16xi32>
        %convert_element_type3A_855 = arith.extui %ge3A_854 : vector<16xi1> to vector<16xi32>
        %add3A_856 = vector.broadcast %scan3A_341 : i32 to vector<16xi32>
        %add3A_857 = arith.addi %add3A_856, %convert_element_type3A_855 : vector<16xi32>
        %gather3A_858 = tpu.vector_load_idx %arg7[%add3A_857] : memref<64xi32, #tpu.memory_space<vmem>>[vector<16xi32>], vector<16xi32>,
        %convert_element_type3A_859 = arith.sitofp %gather3A_858 : vector<16xi32> to vector<16xf32>
        %add3A_860 = arith.constant 5.000000e-01 : f32
        %add3A_861 = vector.broadcast %add3A_860 : f32 to vector<16xf32>
        %add3A_862 = arith.addf %convert_element_type3A_859, %add3A_861 : vector<16xf32>
        %mul3A_863 = arith.constant 4.000000e-04 : f32
        %mul3A_864 = vector.broadcast %mul3A_863 : f32 to vector<16xf32>
        %mul3A_865 = arith.mulf %add3A_862, %mul3A_864 : vector<16xf32>
        %convert_element_type3A_866 = arith.fptosi %mul3A_865 : vector<16xf32> to vector<16xi32>
        %mul3A_867 = arith.constant 2500 : i32
        %mul3A_868 = vector.broadcast %mul3A_867 : i32 to vector<16xi32>
        %mul3A_869 = arith.muli %convert_element_type3A_866, %mul3A_868 : vector<16xi32>
        %sub3A = arith.subi %gather3A_858, %mul3A_869 : vector<16xi32>
        %convert_element_type3A_870 = arith.sitofp %sub3A : vector<16xi32> to vector<16xf32>
        %add3A_871 = arith.constant 5.000000e-01 : f32
        %add3A_872 = vector.broadcast %add3A_871 : f32 to vector<16xf32>
        %add3A_873 = arith.addf %convert_element_type3A_870, %add3A_872 : vector<16xf32>
        %mul3A_874 = arith.constant 2.000000e-02 : f32
        %mul3A_875 = vector.broadcast %mul3A_874 : f32 to vector<16xf32>
        %mul3A_876 = arith.mulf %add3A_873, %mul3A_875 : vector<16xf32>
        %convert_element_type3A_877 = arith.fptosi %mul3A_876 : vector<16xf32> to vector<16xi32>
        %mul3A_878 = arith.constant 50 : i32
        %mul3A_879 = vector.broadcast %mul3A_878 : i32 to vector<16xi32>
        %mul3A_880 = arith.muli %convert_element_type3A_877, %mul3A_879 : vector<16xi32>
        %sub3A_881 = arith.subi %sub3A, %mul3A_880 : vector<16xi32>
        %convert_element_type3A_882 = arith.sitofp %get3A_849 : vector<16xi32> to vector<16xf32>
        %add3A_883 = arith.constant 5.000000e-01 : f32
        %add3A_884 = vector.broadcast %add3A_883 : f32 to vector<16xf32>
        %add3A_885 = arith.addf %convert_element_type3A_882, %add3A_884 : vector<16xf32>
        %mul3A_886 = arith.constant 4.000000e-04 : f32
        %mul3A_887 = vector.broadcast %mul3A_886 : f32 to vector<16xf32>
        %mul3A_888 = arith.mulf %add3A_885, %mul3A_887 : vector<16xf32>
        %convert_element_type3A_889 = arith.fptosi %mul3A_888 : vector<16xf32> to vector<16xi32>
        %mul3A_890 = arith.constant 2500 : i32
        %mul3A_891 = vector.broadcast %mul3A_890 : i32 to vector<16xi32>
        %mul3A_892 = arith.muli %convert_element_type3A_889, %mul3A_891 : vector<16xi32>
        %sub3A_893 = arith.subi %get3A_849, %mul3A_892 : vector<16xi32>
        %convert_element_type3A_894 = arith.sitofp %sub3A_893 : vector<16xi32> to vector<16xf32>
        %add3A_895 = arith.constant 5.000000e-01 : f32
        %add3A_896 = vector.broadcast %add3A_895 : f32 to vector<16xf32>
        %add3A_897 = arith.addf %convert_element_type3A_894, %add3A_896 : vector<16xf32>
        %mul3A_898 = arith.constant 2.000000e-02 : f32
        %mul3A_899 = vector.broadcast %mul3A_898 : f32 to vector<16xf32>
        %mul3A_900 = arith.mulf %add3A_897, %mul3A_899 : vector<16xf32>
        %convert_element_type3A_901 = arith.fptosi %mul3A_900 : vector<16xf32> to vector<16xi32>
        %mul3A_902 = arith.constant 50 : i32
        %mul3A_903 = vector.broadcast %mul3A_902 : i32 to vector<16xi32>
        %mul3A_904 = arith.muli %convert_element_type3A_901, %mul3A_903 : vector<16xi32>
        %sub3A_905 = arith.subi %sub3A_893, %mul3A_904 : vector<16xi32>
        %sub3A_906 = arith.subi %sub3A_881, %sub3A_905 : vector<16xi32>
        %sub3A_907 = arith.subi %convert_element_type3A_877, %convert_element_type3A_901 : vector<16xi32>
        %sub3A_908 = arith.subi %convert_element_type3A_866, %convert_element_type3A_889 : vector<16xi32>
        %mul3A_909 = arith.muli %sub3A_906, %sub3A_906 : vector<16xi32>
        %mul3A_910 = arith.muli %sub3A_907, %sub3A_907 : vector<16xi32>
        %add3A_911 = arith.addi %mul3A_909, %mul3A_910 : vector<16xi32>
        %mul3A_912 = arith.muli %sub3A_908, %sub3A_908 : vector<16xi32>
        %add3A_913 = arith.addi %add3A_911, %mul3A_912 : vector<16xi32>
        %convert_element_type3A_914 = arith.sitofp %add3A_913 : vector<16xi32> to vector<16xf32>
        %ge3A_915 = arith.constant 0 : i32
        %ge3A_916 = vector.broadcast %ge3A_915 : i32 to vector<16xi32>
        %ge3A_917 = arith.cmpi sge, %get3A_849, %ge3A_916 : vector<16xi32>
        %le3A = arith.cmpf ole, %convert_element_type3A_914, %broadcast_in_dim3A : vector<16xf32>
        %and3A_918 = arith.andi %ge3A_917, %le3A : vector<16xi1>
        %gt3A = arith.cmpf ogt, %convert_element_type3A_914, %broadcast_in_dim3A : vector<16xf32>
        %and3A_919 = arith.andi %ge3A_917, %gt3A : vector<16xi1>
        %le3A_920 = arith.cmpf ole, %convert_element_type3A_914, %broadcast_in_dim3A_4 : vector<16xf32>
        %and3A_921 = arith.andi %and3A_919, %le3A_920 : vector<16xi1>
        %ge3A_922 = arith.cmpf oge, %select_n3A_843, %broadcast_in_dim3A_7 : vector<16xf32>
        %and3A_923 = arith.andi %and3A_921, %ge3A_922 : vector<16xi1>
        %not3A = arith.constant dense<true> : vector<16xi1>
        %not3A_924 = arith.xori %and3A_918, %not3A : vector<16xi1>
        %and3A_925 = arith.andi %ge3A_917, %not3A_924 : vector<16xi1>
        %not3A_926 = arith.constant dense<true> : vector<16xi1>
        %not3A_927 = arith.xori %and3A_923, %not3A_926 : vector<16xi1>
        %and3A_928 = arith.andi %and3A_925, %not3A_927 : vector<16xi1>
        %select_n3A_929 = arith.select %and3A_918, %broadcast_in_dim3A_9, %broadcast_in_dim3A_11 : vector<16xi1>, vector<16xf32>
        %swap3A = arith.constant 0 : i32
        %swap3A_930 = arith.index_cast %swap3A : i32 to index
        %swap3A_931 = arith.index_cast %mul3A_344 : i32 to index
        %swap3A_932 = tpu.vector_load %arg12[%swap3A_930, %swap3A_931] {strides = array<i32>} : memref<4x1664xf32, #tpu.memory_space<vmem>>, vector<16xf32>,
        tpu.vector_store %arg12[%swap3A_930, %swap3A_931], %select_n3A_929 {strides = array<i32>} : memref<4x1664xf32, #tpu.memory_space<vmem>>, vector<16xf32>,
        %select_n3A_933 = arith.select %and3A_923, %broadcast_in_dim3A_9, %broadcast_in_dim3A_11 : vector<16xi1>, vector<16xf32>
        %swap3A_934 = arith.constant 1 : i32
        %swap3A_935 = arith.index_cast %swap3A_934 : i32 to index
        %swap3A_936 = arith.index_cast %mul3A_344 : i32 to index
        %swap3A_937 = tpu.vector_load %arg12[%swap3A_935, %swap3A_936] {strides = array<i32>} : memref<4x1664xf32, #tpu.memory_space<vmem>>, vector<16xf32>,
        tpu.vector_store %arg12[%swap3A_935, %swap3A_936], %select_n3A_933 {strides = array<i32>} : memref<4x1664xf32, #tpu.memory_space<vmem>>, vector<16xf32>,
        %select_n3A_938 = arith.select %and3A_928, %broadcast_in_dim3A_9, %broadcast_in_dim3A_11 : vector<16xi1>, vector<16xf32>
        %swap3A_939 = arith.constant 2 : i32
        %swap3A_940 = arith.index_cast %swap3A_939 : i32 to index
        %swap3A_941 = arith.index_cast %mul3A_344 : i32 to index
        %swap3A_942 = tpu.vector_load %arg12[%swap3A_940, %swap3A_941] {strides = array<i32>} : memref<4x1664xf32, #tpu.memory_space<vmem>>, vector<16xf32>,
        tpu.vector_store %arg12[%swap3A_940, %swap3A_941], %select_n3A_938 {strides = array<i32>} : memref<4x1664xf32, #tpu.memory_space<vmem>>, vector<16xf32>,
        %select_n3A_943 = arith.select %ge3A_917, %select_n3A_843, %broadcast_in_dim3A_11 : vector<16xi1>, vector<16xf32>
        %swap3A_944 = arith.constant 3 : i32
        %swap3A_945 = arith.index_cast %swap3A_944 : i32 to index
        %swap3A_946 = arith.index_cast %mul3A_344 : i32 to index
        %swap3A_947 = tpu.vector_load %arg12[%swap3A_945, %swap3A_946] {strides = array<i32>} : memref<4x1664xf32, #tpu.memory_space<vmem>>, vector<16xf32>,
        tpu.vector_store %arg12[%swap3A_945, %swap3A_946], %select_n3A_943 {strides = array<i32>} : memref<4x1664xf32, #tpu.memory_space<vmem>>, vector<16xf32>,
        %add3A_948 = arith.constant 16 : i32
        %add3A_949 = arith.addi %scan3A_342, %add3A_948 : i32
        %ge3A_950 = arith.constant 26 : i32
        %ge3A_951 = arith.cmpi sge, %add3A_949, %ge3A_950 : i32
        %convert_element_type3A_952 = arith.extui %ge3A_951 : i1 to i32
        %add3A_953 = arith.addi %scan3A_341, %convert_element_type3A_952 : i32
        %mul3A_954 = arith.constant 26 : i32
        %mul3A_955 = arith.muli %convert_element_type3A_952, %mul3A_954 : i32
        %sub3A_956 = arith.subi %add3A_949, %mul3A_955 : i32
        scf.yield %add3A_953, %sub3A_956 : i32, i32
      }
      %scan3A_332 = arith.constant 104 : i32
      %run_scoped3A = arith.constant 0 : i32
      %run_scoped3A_333 = arith.constant 0 : i32
      "tpu.region"() ({
        %run_scoped3A_340 = tpu.sem_alloc : memref<!tpu.dma_semaphore, #tpu.memory_space<semaphore_mem>>
        %dma_start3A_341 = arith.constant 0 : i32
        %dma_start3A_342 = tpu.memref_slice %arg12[%run_scoped3A, %dma_start3A_341] : memref<4x1664xf32, #tpu.memory_space<vmem>> -> memref<1x1664xf32, #tpu.memory_space<vmem>>
        %dma_start3A_343 = tpu.memref_squeeze %dma_start3A_342 : memref<1x1664xf32, #tpu.memory_space<vmem>> -> memref<1664xf32, #tpu.memory_space<vmem>>
        %dma_start3A_344 = tpu.memref_slice %arg6[%run_scoped3A_333, %mul3A_60] : memref<4x851968xf32, #tpu.memory_space<hbm>> -> memref<1x1664xf32, #tpu.memory_space<hbm>>
        %dma_start3A_345 = tpu.memref_squeeze %dma_start3A_344 : memref<1x1664xf32, #tpu.memory_space<hbm>> -> memref<1664xf32, #tpu.memory_space<hbm>>
        %dma_start3A_346 = tpu.memref_slice %arg6[%run_scoped3A_333, %mul3A_60] : memref<4x851968xf32, #tpu.memory_space<hbm>> -> memref<1x1664xf32, #tpu.memory_space<hbm>>
        %dma_start3A_347 = tpu.memref_squeeze %dma_start3A_346 : memref<1x1664xf32, #tpu.memory_space<hbm>> -> memref<1664xf32, #tpu.memory_space<hbm>>
        %dma_start3A_348 = arith.constant 0 : i32
        %dma_start3A_349 = tpu.memref_slice %arg12[%run_scoped3A, %dma_start3A_348] : memref<4x1664xf32, #tpu.memory_space<vmem>> -> memref<1x1664xf32, #tpu.memory_space<vmem>>
        %dma_start3A_350 = tpu.memref_squeeze %dma_start3A_349 : memref<1x1664xf32, #tpu.memory_space<vmem>> -> memref<1664xf32, #tpu.memory_space<vmem>>
        tpu.enqueue_dma source(%dma_start3A_350 : memref<1664xf32, #tpu.memory_space<vmem>>) target(%dma_start3A_347 : memref<1664xf32, #tpu.memory_space<hbm>>) target_semaphore(%run_scoped3A_340 : memref<!tpu.dma_semaphore, #tpu.memory_space<semaphore_mem>>)
        %dma_wait3A_351 = arith.constant 0 : i32
        %dma_wait3A_352 = tpu.memref_slice %arg12[%run_scoped3A, %dma_wait3A_351] : memref<4x1664xf32, #tpu.memory_space<vmem>> -> memref<1x1664xf32, #tpu.memory_space<vmem>>
        %dma_wait3A_353 = tpu.memref_squeeze %dma_wait3A_352 : memref<1x1664xf32, #tpu.memory_space<vmem>> -> memref<1664xf32, #tpu.memory_space<vmem>>
        %dma_wait3A_354 = tpu.memref_slice %arg6[%run_scoped3A_333, %mul3A_60] : memref<4x851968xf32, #tpu.memory_space<hbm>> -> memref<1x1664xf32, #tpu.memory_space<hbm>>
        %dma_wait3A_355 = tpu.memref_squeeze %dma_wait3A_354 : memref<1x1664xf32, #tpu.memory_space<hbm>> -> memref<1664xf32, #tpu.memory_space<hbm>>
        %dma_wait3A_356 = tpu.memref_slice %arg6[%run_scoped3A_333, %mul3A_60] : memref<4x851968xf32, #tpu.memory_space<hbm>> -> memref<1x1664xf32, #tpu.memory_space<hbm>>
        %dma_wait3A_357 = tpu.memref_squeeze %dma_wait3A_356 : memref<1x1664xf32, #tpu.memory_space<hbm>> -> memref<1664xf32, #tpu.memory_space<hbm>>
        %dma_wait3A_358 = arith.constant 0 : i32
        %dma_wait3A_359 = tpu.memref_slice %arg12[%run_scoped3A, %dma_wait3A_358] : memref<4x1664xf32, #tpu.memory_space<vmem>> -> memref<1x1664xf32, #tpu.memory_space<vmem>>
        %dma_wait3A_360 = tpu.memref_squeeze %dma_wait3A_359 : memref<1x1664xf32, #tpu.memory_space<vmem>> -> memref<1664xf32, #tpu.memory_space<vmem>>
        tpu.wait_dma2 semaphore(%run_scoped3A_340 : memref<!tpu.dma_semaphore, #tpu.memory_space<semaphore_mem>>) src(%dma_wait3A_360 : memref<1664xf32, #tpu.memory_space<vmem>>) dst(%dma_wait3A_357 : memref<1664xf32, #tpu.memory_space<hbm>>)
        tpu.yield
      }) : () -> ()
      %run_scoped3A_334 = arith.constant 1 : i32
      %run_scoped3A_335 = arith.constant 1 : i32
      "tpu.region"() ({
        %run_scoped3A_340 = tpu.sem_alloc : memref<!tpu.dma_semaphore, #tpu.memory_space<semaphore_mem>>
        %dma_start3A_341 = arith.constant 0 : i32
        %dma_start3A_342 = tpu.memref_slice %arg12[%run_scoped3A_334, %dma_start3A_341] : memref<4x1664xf32, #tpu.memory_space<vmem>> -> memref<1x1664xf32, #tpu.memory_space<vmem>>
        %dma_start3A_343 = tpu.memref_squeeze %dma_start3A_342 : memref<1x1664xf32, #tpu.memory_space<vmem>> -> memref<1664xf32, #tpu.memory_space<vmem>>
        %dma_start3A_344 = tpu.memref_slice %arg6[%run_scoped3A_335, %mul3A_60] : memref<4x851968xf32, #tpu.memory_space<hbm>> -> memref<1x1664xf32, #tpu.memory_space<hbm>>
        %dma_start3A_345 = tpu.memref_squeeze %dma_start3A_344 : memref<1x1664xf32, #tpu.memory_space<hbm>> -> memref<1664xf32, #tpu.memory_space<hbm>>
        %dma_start3A_346 = tpu.memref_slice %arg6[%run_scoped3A_335, %mul3A_60] : memref<4x851968xf32, #tpu.memory_space<hbm>> -> memref<1x1664xf32, #tpu.memory_space<hbm>>
        %dma_start3A_347 = tpu.memref_squeeze %dma_start3A_346 : memref<1x1664xf32, #tpu.memory_space<hbm>> -> memref<1664xf32, #tpu.memory_space<hbm>>
        %dma_start3A_348 = arith.constant 0 : i32
        %dma_start3A_349 = tpu.memref_slice %arg12[%run_scoped3A_334, %dma_start3A_348] : memref<4x1664xf32, #tpu.memory_space<vmem>> -> memref<1x1664xf32, #tpu.memory_space<vmem>>
        %dma_start3A_350 = tpu.memref_squeeze %dma_start3A_349 : memref<1x1664xf32, #tpu.memory_space<vmem>> -> memref<1664xf32, #tpu.memory_space<vmem>>
        tpu.enqueue_dma source(%dma_start3A_350 : memref<1664xf32, #tpu.memory_space<vmem>>) target(%dma_start3A_347 : memref<1664xf32, #tpu.memory_space<hbm>>) target_semaphore(%run_scoped3A_340 : memref<!tpu.dma_semaphore, #tpu.memory_space<semaphore_mem>>)
        %dma_wait3A_351 = arith.constant 0 : i32
        %dma_wait3A_352 = tpu.memref_slice %arg12[%run_scoped3A_334, %dma_wait3A_351] : memref<4x1664xf32, #tpu.memory_space<vmem>> -> memref<1x1664xf32, #tpu.memory_space<vmem>>
        %dma_wait3A_353 = tpu.memref_squeeze %dma_wait3A_352 : memref<1x1664xf32, #tpu.memory_space<vmem>> -> memref<1664xf32, #tpu.memory_space<vmem>>
        %dma_wait3A_354 = tpu.memref_slice %arg6[%run_scoped3A_335, %mul3A_60] : memref<4x851968xf32, #tpu.memory_space<hbm>> -> memref<1x1664xf32, #tpu.memory_space<hbm>>
        %dma_wait3A_355 = tpu.memref_squeeze %dma_wait3A_354 : memref<1x1664xf32, #tpu.memory_space<hbm>> -> memref<1664xf32, #tpu.memory_space<hbm>>
        %dma_wait3A_356 = tpu.memref_slice %arg6[%run_scoped3A_335, %mul3A_60] : memref<4x851968xf32, #tpu.memory_space<hbm>> -> memref<1x1664xf32, #tpu.memory_space<hbm>>
        %dma_wait3A_357 = tpu.memref_squeeze %dma_wait3A_356 : memref<1x1664xf32, #tpu.memory_space<hbm>> -> memref<1664xf32, #tpu.memory_space<hbm>>
        %dma_wait3A_358 = arith.constant 0 : i32
        %dma_wait3A_359 = tpu.memref_slice %arg12[%run_scoped3A_334, %dma_wait3A_358] : memref<4x1664xf32, #tpu.memory_space<vmem>> -> memref<1x1664xf32, #tpu.memory_space<vmem>>
        %dma_wait3A_360 = tpu.memref_squeeze %dma_wait3A_359 : memref<1x1664xf32, #tpu.memory_space<vmem>> -> memref<1664xf32, #tpu.memory_space<vmem>>
        tpu.wait_dma2 semaphore(%run_scoped3A_340 : memref<!tpu.dma_semaphore, #tpu.memory_space<semaphore_mem>>) src(%dma_wait3A_360 : memref<1664xf32, #tpu.memory_space<vmem>>) dst(%dma_wait3A_357 : memref<1664xf32, #tpu.memory_space<hbm>>)
        tpu.yield
      }) : () -> ()
      %run_scoped3A_336 = arith.constant 2 : i32
      %run_scoped3A_337 = arith.constant 2 : i32
      "tpu.region"() ({
        %run_scoped3A_340 = tpu.sem_alloc : memref<!tpu.dma_semaphore, #tpu.memory_space<semaphore_mem>>
        %dma_start3A_341 = arith.constant 0 : i32
        %dma_start3A_342 = tpu.memref_slice %arg12[%run_scoped3A_336, %dma_start3A_341] : memref<4x1664xf32, #tpu.memory_space<vmem>> -> memref<1x1664xf32, #tpu.memory_space<vmem>>
        %dma_start3A_343 = tpu.memref_squeeze %dma_start3A_342 : memref<1x1664xf32, #tpu.memory_space<vmem>> -> memref<1664xf32, #tpu.memory_space<vmem>>
        %dma_start3A_344 = tpu.memref_slice %arg6[%run_scoped3A_337, %mul3A_60] : memref<4x851968xf32, #tpu.memory_space<hbm>> -> memref<1x1664xf32, #tpu.memory_space<hbm>>
        %dma_start3A_345 = tpu.memref_squeeze %dma_start3A_344 : memref<1x1664xf32, #tpu.memory_space<hbm>> -> memref<1664xf32, #tpu.memory_space<hbm>>
        %dma_start3A_346 = tpu.memref_slice %arg6[%run_scoped3A_337, %mul3A_60] : memref<4x851968xf32, #tpu.memory_space<hbm>> -> memref<1x1664xf32, #tpu.memory_space<hbm>>
        %dma_start3A_347 = tpu.memref_squeeze %dma_start3A_346 : memref<1x1664xf32, #tpu.memory_space<hbm>> -> memref<1664xf32, #tpu.memory_space<hbm>>
        %dma_start3A_348 = arith.constant 0 : i32
        %dma_start3A_349 = tpu.memref_slice %arg12[%run_scoped3A_336, %dma_start3A_348] : memref<4x1664xf32, #tpu.memory_space<vmem>> -> memref<1x1664xf32, #tpu.memory_space<vmem>>
        %dma_start3A_350 = tpu.memref_squeeze %dma_start3A_349 : memref<1x1664xf32, #tpu.memory_space<vmem>> -> memref<1664xf32, #tpu.memory_space<vmem>>
        tpu.enqueue_dma source(%dma_start3A_350 : memref<1664xf32, #tpu.memory_space<vmem>>) target(%dma_start3A_347 : memref<1664xf32, #tpu.memory_space<hbm>>) target_semaphore(%run_scoped3A_340 : memref<!tpu.dma_semaphore, #tpu.memory_space<semaphore_mem>>)
        %dma_wait3A_351 = arith.constant 0 : i32
        %dma_wait3A_352 = tpu.memref_slice %arg12[%run_scoped3A_336, %dma_wait3A_351] : memref<4x1664xf32, #tpu.memory_space<vmem>> -> memref<1x1664xf32, #tpu.memory_space<vmem>>
        %dma_wait3A_353 = tpu.memref_squeeze %dma_wait3A_352 : memref<1x1664xf32, #tpu.memory_space<vmem>> -> memref<1664xf32, #tpu.memory_space<vmem>>
        %dma_wait3A_354 = tpu.memref_slice %arg6[%run_scoped3A_337, %mul3A_60] : memref<4x851968xf32, #tpu.memory_space<hbm>> -> memref<1x1664xf32, #tpu.memory_space<hbm>>
        %dma_wait3A_355 = tpu.memref_squeeze %dma_wait3A_354 : memref<1x1664xf32, #tpu.memory_space<hbm>> -> memref<1664xf32, #tpu.memory_space<hbm>>
        %dma_wait3A_356 = tpu.memref_slice %arg6[%run_scoped3A_337, %mul3A_60] : memref<4x851968xf32, #tpu.memory_space<hbm>> -> memref<1x1664xf32, #tpu.memory_space<hbm>>
        %dma_wait3A_357 = tpu.memref_squeeze %dma_wait3A_356 : memref<1x1664xf32, #tpu.memory_space<hbm>> -> memref<1664xf32, #tpu.memory_space<hbm>>
        %dma_wait3A_358 = arith.constant 0 : i32
        %dma_wait3A_359 = tpu.memref_slice %arg12[%run_scoped3A_336, %dma_wait3A_358] : memref<4x1664xf32, #tpu.memory_space<vmem>> -> memref<1x1664xf32, #tpu.memory_space<vmem>>
        %dma_wait3A_360 = tpu.memref_squeeze %dma_wait3A_359 : memref<1x1664xf32, #tpu.memory_space<vmem>> -> memref<1664xf32, #tpu.memory_space<vmem>>
        tpu.wait_dma2 semaphore(%run_scoped3A_340 : memref<!tpu.dma_semaphore, #tpu.memory_space<semaphore_mem>>) src(%dma_wait3A_360 : memref<1664xf32, #tpu.memory_space<vmem>>) dst(%dma_wait3A_357 : memref<1664xf32, #tpu.memory_space<hbm>>)
        tpu.yield
      }) : () -> ()
      %run_scoped3A_338 = arith.constant 3 : i32
      %run_scoped3A_339 = arith.constant 3 : i32
      "tpu.region"() ({
        %run_scoped3A_340 = tpu.sem_alloc : memref<!tpu.dma_semaphore, #tpu.memory_space<semaphore_mem>>
        %dma_start3A_341 = arith.constant 0 : i32
        %dma_start3A_342 = tpu.memref_slice %arg12[%run_scoped3A_338, %dma_start3A_341] : memref<4x1664xf32, #tpu.memory_space<vmem>> -> memref<1x1664xf32, #tpu.memory_space<vmem>>
        %dma_start3A_343 = tpu.memref_squeeze %dma_start3A_342 : memref<1x1664xf32, #tpu.memory_space<vmem>> -> memref<1664xf32, #tpu.memory_space<vmem>>
        %dma_start3A_344 = tpu.memref_slice %arg6[%run_scoped3A_339, %mul3A_60] : memref<4x851968xf32, #tpu.memory_space<hbm>> -> memref<1x1664xf32, #tpu.memory_space<hbm>>
        %dma_start3A_345 = tpu.memref_squeeze %dma_start3A_344 : memref<1x1664xf32, #tpu.memory_space<hbm>> -> memref<1664xf32, #tpu.memory_space<hbm>>
        %dma_start3A_346 = tpu.memref_slice %arg6[%run_scoped3A_339, %mul3A_60] : memref<4x851968xf32, #tpu.memory_space<hbm>> -> memref<1x1664xf32, #tpu.memory_space<hbm>>
        %dma_start3A_347 = tpu.memref_squeeze %dma_start3A_346 : memref<1x1664xf32, #tpu.memory_space<hbm>> -> memref<1664xf32, #tpu.memory_space<hbm>>
        %dma_start3A_348 = arith.constant 0 : i32
        %dma_start3A_349 = tpu.memref_slice %arg12[%run_scoped3A_338, %dma_start3A_348] : memref<4x1664xf32, #tpu.memory_space<vmem>> -> memref<1x1664xf32, #tpu.memory_space<vmem>>
        %dma_start3A_350 = tpu.memref_squeeze %dma_start3A_349 : memref<1x1664xf32, #tpu.memory_space<vmem>> -> memref<1664xf32, #tpu.memory_space<vmem>>
        tpu.enqueue_dma source(%dma_start3A_350 : memref<1664xf32, #tpu.memory_space<vmem>>) target(%dma_start3A_347 : memref<1664xf32, #tpu.memory_space<hbm>>) target_semaphore(%run_scoped3A_340 : memref<!tpu.dma_semaphore, #tpu.memory_space<semaphore_mem>>)
        %dma_wait3A_351 = arith.constant 0 : i32
        %dma_wait3A_352 = tpu.memref_slice %arg12[%run_scoped3A_338, %dma_wait3A_351] : memref<4x1664xf32, #tpu.memory_space<vmem>> -> memref<1x1664xf32, #tpu.memory_space<vmem>>
        %dma_wait3A_353 = tpu.memref_squeeze %dma_wait3A_352 : memref<1x1664xf32, #tpu.memory_space<vmem>> -> memref<1664xf32, #tpu.memory_space<vmem>>
        %dma_wait3A_354 = tpu.memref_slice %arg6[%run_scoped3A_339, %mul3A_60] : memref<4x851968xf32, #tpu.memory_space<hbm>> -> memref<1x1664xf32, #tpu.memory_space<hbm>>
        %dma_wait3A_355 = tpu.memref_squeeze %dma_wait3A_354 : memref<1x1664xf32, #tpu.memory_space<hbm>> -> memref<1664xf32, #tpu.memory_space<hbm>>
        %dma_wait3A_356 = tpu.memref_slice %arg6[%run_scoped3A_339, %mul3A_60] : memref<4x851968xf32, #tpu.memory_space<hbm>> -> memref<1x1664xf32, #tpu.memory_space<hbm>>
        %dma_wait3A_357 = tpu.memref_squeeze %dma_wait3A_356 : memref<1x1664xf32, #tpu.memory_space<hbm>> -> memref<1664xf32, #tpu.memory_space<hbm>>
        %dma_wait3A_358 = arith.constant 0 : i32
        %dma_wait3A_359 = tpu.memref_slice %arg12[%run_scoped3A_338, %dma_wait3A_358] : memref<4x1664xf32, #tpu.memory_space<vmem>> -> memref<1x1664xf32, #tpu.memory_space<vmem>>
        %dma_wait3A_360 = tpu.memref_squeeze %dma_wait3A_359 : memref<1x1664xf32, #tpu.memory_space<vmem>> -> memref<1664xf32, #tpu.memory_space<vmem>>
        tpu.wait_dma2 semaphore(%run_scoped3A_340 : memref<!tpu.dma_semaphore, #tpu.memory_space<semaphore_mem>>) src(%dma_wait3A_360 : memref<1664xf32, #tpu.memory_space<vmem>>) dst(%dma_wait3A_357 : memref<1664xf32, #tpu.memory_space<hbm>>)
        tpu.yield
      }) : () -> ()
    }
    %scan3A_49 = arith.constant 16 : i32
    return
  }
}

module attributes {stable_mosaic.version = 14 : i64} {
  func.func @_normalize_body(%arg0: i32, %arg1: memref<2000x32xf32, #tpu.memory_space<vmem>>, %arg2: memref<2000x32xf32, #tpu.memory_space<vmem>>) attributes {dimension_semantics = [#tpu.dimension_semantics<arbitrary>], iteration_bounds = array<i64: 50>, scalar_prefetch = 0 : i64, scratch_operands = 0 : i64, tpu.core_type = #tpu.core_type<tc>, window_params = [{transform_indices = @transform_0, window_bounds = array<i64: 2000, 32>}, {transform_indices = @transform_1, window_bounds = array<i64: 2000, 32>}]} {
    %get3A = arith.constant 0 : index
    %get3A_0 = arith.constant 0 : index
    %get3A_1 = vector.load %arg1[%get3A, %get3A_0] : memref<2000x32xf32, #tpu.memory_space<vmem>>, vector<2000x32xf32>
    %mul3A = arith.mulf %get3A_1, %get3A_1 : vector<2000x32xf32>
    %reduce_sum3A = arith.constant dense<0.000000e+00> : vector<2000xf32>
    %reduce_sum3A_2 = vector.multi_reduction <add>, %mul3A, %reduce_sum3A [1] : vector<2000x32xf32> to vector<2000xf32>
    %broadcast_in_dim3A = vector.shape_cast %reduce_sum3A_2 : vector<2000xf32> to vector<2000x1xf32>
    %add3A = arith.constant 9.99999996E-13 : f32
    %add3A_3 = vector.broadcast %add3A : f32 to vector<2000x1xf32>
    %add3A_4 = arith.addf %broadcast_in_dim3A, %add3A_3 : vector<2000x1xf32>
    %sqrt3A = math.sqrt %add3A_4 : vector<2000x1xf32>
    %div3A = arith.constant 1.000000e+00 : f32
    %div3A_5 = vector.broadcast %div3A : f32 to vector<2000x1xf32>
    %div3A_6 = arith.divf %div3A_5, %sqrt3A : vector<2000x1xf32>
    %mul3A_7 = vector.broadcast %div3A_6 : vector<2000x1xf32> to vector<2000x32xf32>
    %mul3A_8 = arith.mulf %get3A_1, %mul3A_7 : vector<2000x32xf32>
    %swap3A = arith.constant 0 : index
    %swap3A_9 = arith.constant 0 : index
    %swap3A_10 = vector.load %arg2[%swap3A, %swap3A_9] : memref<2000x32xf32, #tpu.memory_space<vmem>>, vector<2000x32xf32>
    tpu.vector_store %arg2[%swap3A, %swap3A_9], %mul3A_8 {strides = array<i32>} : memref<2000x32xf32, #tpu.memory_space<vmem>>, vector<2000x32xf32>,
    return
  }
  func.func @transform_0(%arg0: i32) -> (i32, i32) {
    %c0_i32 = arith.constant 0 : i32
    %c0_i32_0 = arith.constant 0 : i32
    return %arg0, %c0_i32 : i32, i32
  }
  func.func @transform_1(%arg0: i32) -> (i32, i32) {
    %c0_i32 = arith.constant 0 : i32
    %c0_i32_0 = arith.constant 0 : i32
    return %arg0, %c0_i32 : i32, i32
  }
}

</mosaic_0001>

<sc_bundles>
// kernel: kernel.4.cloned.1.call-start
scs
__scs_entry_jumppad:
0x0: {  	(pc) =	sbr.rel $0x88, $3  }
0x1: {  	(tag) =	ssettag $0x0;
	lr =	simm.s32 $0x1  }
0x2: {  	[smem:$0x3F9B] =	sst lr;
	_ =	strace $0xD0000000  }
0x3: {  	_ = 	snop  }
0x4: {  	_ = 	snop  }
0x5: {  	_ = 	snop  }
0x6: {  	_ = 	snop  }
0x7: {  	_ = 	snop  }
__scs_overlays_trampoline_lowered:
0x8: {  	[smem:$0x3FAA] =	sst s0  }
0x9: {  	[smem:$0x3FAB] =	sst s1  }
0xa: {  	[smem:$0x3FAC] =	sst s2  }
0xb: {  	[smem:$0x3FAD] =	sst s3  }
0xc: {  	[smem:$0x3FAE] =	sst s4  }
0xd: {  	[smem:$0x3FAF] =	sst s5  }
0xe: {  	[smem:$0x3FB0] =	sst s6  }
0xf: {  	[smem:$0x3FB1] =	sst s7  }
0x10: {  	[smem:$0x3FB2] =	sst s8  }
0x11: {  	[smem:$0x3FB3] =	sst s9;
	s0 =	simm.s32 @!p0 $0x0  }
0x12: {  	s1 =	sld [smem:$0x3F99];
	s0 =	simm.s32 @p0 $0x1  }
0x13: {  	[smem:$0x3FB4] =	sst s0;
	s0 =	simm.s32 @!p1 $0x0  }
0x14: {  	s2 =	sld [smem:$0x3F98];
	s0 =	simm.s32 @p1 $0x1  }
0x15: {  	[smem:$0x3FB5] =	sst s0;
	s0 =	simm.s32 @!p2 $0x0  }
0x16: {  	s3 =	sld [smem:$0x3FDB];
	s0 =	simm.s32 @p2 $0x1  }
0x17: {  	s4 =	simm.s32 $0x1BF5;
	[smem:$0x3FB7] =	sst s0  }
0x18: {  	s0 =	sld [smem:$0x3F9A];
	_ =	swait.ge [sflag:s4], $0x0  }
0x19: {  	s7 =	sld [smem:$0x3F9B]  }
0x1a: {  	s8 =	sadd.s32 $0xFFFFE003, lr  }
0x1b: {  	s9 =	sadd.s32 $0xFFFFFEF7, lr;
	s5 =	simm.s32 $0xFFFFFFFF;
	p2 =	slt.u32 s8, $0xFFFFF086  }
0x1c: {  	p1 =	slt.u32 s9, $0xF7A;
	s5 =	simm.s32 @!p2 $0x0  }
0x1d: {  	s5 =	simm.s32 @p1 $0x1;
	p0 =	seq.s32 s7, s2  }
0x1e: {  	s7 =	smul.u32 @!p0 $0xF7A, s2;
	p2 =	seq.s32 @!p0 s5, $0x0  }
0x1f: {  	s9 =	smul.u32 $0xF7A, s1;
	s8 =	simm.s32 @!p0 $0x1BF5;
	p2 =	por !p2, p0  }
0x20: {  	[sflag:s8] =	ssyncset.s32 @!p0 $0xFFFFF086;
	s6 =	sadd.s32 @!p0 s3, s7;
	s7 =	simm.s32 @!p0 $0x108  }
0x21: {  	s3 =	sadd.s32 s3, s9;
	s6 =	sadd.s32 @!p0 $0x88, s6;
	s7 =	simm.s32 @p2 $0x1082  }
0x22: {  	[simem:s7], [sflag:s8] =	dma.local @!p0 [hbm:s6], $0xF7A  }
0x23: {  	s9 =	sor.u32 $0xD0000000, s2;
	s6 =	simm.s32 $0x108;
	_ =	swait.ge @!p0 [sflag:s8], $0x0  }
0x24: {  	s3 =	sadd.s32 $0x88, s3;
	s6 =	simm.s32 @!p1 $0x1082;
	[sflag:s4] =	ssyncset.s32 $0xFFFFF086  }
0x25: {  	[simem:s6], [sflag:s4] =	dma.local [hbm:s3], $0xF7A  }
0x26: {  	[smem:$0x3F9B] =	sst s1;
	(tag) =	ssettag s2;
	_ =	strace s9  }
0x27: {  	s1 =	sld [smem:$0x3FAB]  }
0x28: {  	s2 =	sld [smem:$0x3FAC]  }
0x29: {  	s4 =	sld [smem:$0x3FAE]  }
0x2a: {  	p0 =	seq.s32 s5, $0x0;
	s5 =	sld [smem:$0x3FAF]  }
0x2b: {  	s6 =	sld [smem:$0x3FB0]  }
0x2c: {  	s7 =	sld [smem:$0x3FB1]  }
0x2d: {  	s3 =	simm.s32 $0x108;
	s8 =	sld [smem:$0x3FB2]  }
0x2e: {  	s3 =	simm.s32 @!p0 $0x1082;
	s9 =	sld [smem:$0x3FB3]  }
0x2f: {  	lr =	sadd.s32 s0, s3;
	s0 =	sld [smem:$0x3FAA]  }
0x30: {  	s3 =	sld [smem:$0x3FAD]  }
0x31: {  	[smem:$0x3FB6] =	sst s10  }
0x32: {  	s10 =	sld [smem:$0x3FB4];
	_ =	sdelay $0x3  }
0x33: {  	p0 =	seq.s32 s10, $0x1;
	s10 =	sld [smem:$0x3FB6];
	_ =	sdelay $0x3  }
0x34: {  	[smem:$0x3FB6] =	sst s10  }
0x35: {  	s10 =	sld [smem:$0x3FB5];
	_ =	sdelay $0x3  }
0x36: {  	p1 =	seq.s32 s10, $0x1;
	s10 =	sld [smem:$0x3FB6];
	_ =	sdelay $0x3  }
0x37: {  	[smem:$0x3FB6] =	sst s10  }
0x38: {  	s10 =	sld [smem:$0x3FB7]  }
0x39: {  	_ = 	snop;
	(pc) =	sbr.ind lr, $3  }
0x3a: {  	_ = 	snop  }
0x3b: {  	_ = 	snop  }
0x3c: {  	p2 =	seq.s32 s10, $0x1;
	s10 =	sld [smem:$0x3FB6]  }
0x3d: {  	_ =	shalt  }
0x3e: {  	_ =	shalt  }
0x3f: {  	_ =	shalt  }
0x40: {  	_ =	shalt  }
0x41: {  	_ =	shalt  }
0x42: {  	_ =	shalt  }
0x43: {  	_ =	shalt  }
0x44: {  	_ =	shalt  }
0x45: {  	_ =	shalt  }
0x46: {  	_ =	shalt  }
0x47: {  	_ =	shalt  }
0x48: {  	_ =	shalt  }
0x49: {  	_ =	shalt  }
0x4a: {  	_ =	shalt  }
0x4b: {  	_ =	shalt  }
0x4c: {  	_ =	shalt  }
0x4d: {  	_ =	shalt  }
0x4e: {  	_ =	shalt  }
0x4f: {  	_ =	shalt  }
0x50: {  	_ =	shalt  }
0x51: {  	_ =	shalt  }
0x52: {  	_ =	shalt  }
0x53: {  	_ =	shalt  }
0x54: {  	_ =	shalt  }
0x55: {  	_ =	shalt  }
0x56: {  	_ =	shalt  }
0x57: {  	_ =	shalt  }
0x58: {  	_ =	shalt  }
0x59: {  	_ =	shalt  }
0x5a: {  	_ =	shalt  }
0x5b: {  	_ =	shalt  }
0x5c: {  	_ =	shalt  }
0x5d: {  	_ =	shalt  }
0x5e: {  	_ =	shalt  }
0x5f: {  	_ =	shalt  }
0x60: {  	_ =	shalt  }
0x61: {  	_ =	shalt  }
0x62: {  	_ =	shalt  }
0x63: {  	_ =	shalt  }
0x64: {  	_ =	shalt  }
0x65: {  	_ =	shalt  }
0x66: {  	_ =	shalt  }
0x67: {  	_ =	shalt  }
0x68: {  	_ =	shalt  }
0x69: {  	_ =	shalt  }
0x6a: {  	_ =	shalt  }
0x6b: {  	_ =	shalt  }
0x6c: {  	_ =	shalt  }
0x6d: {  	_ =	shalt  }
0x6e: {  	_ =	shalt  }
0x6f: {  	_ =	shalt  }
0x70: {  	_ =	shalt  }
0x71: {  	_ =	shalt  }
0x72: {  	_ =	shalt  }
0x73: {  	_ =	shalt  }
0x74: {  	_ =	shalt  }
0x75: {  	_ =	shalt  }
0x76: {  	_ =	shalt  }
0x77: {  	_ =	shalt  }
0x78: {  	_ =	shalt  }
0x79: {  	_ =	shalt  }
0x7a: {  	_ =	shalt  }
0x7b: {  	_ =	shalt  }
0x7c: {  	_ =	shalt  }
0x7d: {  	_ =	shalt  }
0x7e: {  	_ =	shalt  }
0x7f: {  	_ =	shalt  }
0x80: {  	_ =	shalt  }
0x81: {  	_ =	shalt  }
0x82: {  	_ =	shalt  }
0x83: {  	_ =	shalt  }
0x84: {  	_ =	shalt  }
0x85: {  	_ =	shalt  }
0x86: {  	_ =	shalt  }
0x87: {  	_ =	shalt  }
.Lfunc_end0:
.L_simem_size_0:
called_computation_lowered:
.L_overlay_start_0:
0x88: {  	s2 =	sld [smem:$0x3FD9]  }
0x89: {  	s3 =	sld [smem:$0x3FFE];
	_ =	sdelay $0x1  }
0x8a: {  	s1 =	srdreg.scid  }
0x8b: {  	s0 =	sand.u32 $0x1, s1  }
0x8c: {  	s17 =	sshll.u32 s0, $0xA;
	s2 =	sadd.s32 s3, s2  }
0x8d: {  	s2 =	sadd.s32 s2, s17  }
0x8e: {  	[smem:$0x3FC2] =	sst s2  }
0x8f: {  	_ = 	snop  }
0x90: {  	s2 =	sld [smem:$0x3FC9]  }
0x91: {  	s18 =	sld [smem:$0x3FD0];
	(tm) =	ssettm $0x1  }
0x92: {  	s4 =	sld [smem:$0x3FFB];
	_ =	sdelay $0x3  }
0x93: {  	_ =	strace s4  }
0x94: {  	s4 =	sld [smem:$0x3FFC];
	_ =	sdelay $0x3  }
0x95: {  	_ =	strace s4  }
0x96: {  	s4 =	sld [smem:$0x3FFD];
	_ =	sdelay $0x3  }
0x97: {  	_ =	strace s4  }
0x98: {  	_ =	strace $0x8FFFFFFF  }
0x99: {  	s19 =	sld [smem:$0x3FDB];
	_ =	sdelay $0x1  }
0x9a: {  	s5 =	simm.s32 $_scs_section_size  }
0x9b: {  	s6 =	simm.s32 $_size__tile_overlayer_lowered;
	s7 =	simm.s32 $_tile_overlayer_lowered  }
0x9c: {  	s22 =	simm.s32 $0x1BFF;
	s21 =	sshll.u32 s7, $0x1;
	s4 =	sadd.s32 s5, s19  }
0x9d: {  	s8 =	simm.s32 $0x0;
	s20 =	sshll.u32 s6, $0x1;
	s6 =	sadd.s32 s21, s4  }
0x9e: {  	[timem:s8], [sflag:s22] =	dma.local [hbm:s6], s20  }
0x9f: {  	_ =	swait.ge [sflag:s22], s20  }
0xa0: {  	s5 =	ssub.s32 $0x0, s20;
	[sflag:s22] =	ssyncset.done $0x0  }
0xa1: {  	[sflag:s22] =	ssyncadd.s32 s5;
	_ =	sdelay $0x1  }
0xa2: {  	s23 =	simm.s32 $0x1B8B  }
0xa3: {  	_ =	swait.ge [sflag:s23], $0x1  }
0xa4: {  	[sflag:s23] =	ssyncset.done $0x0  }
0xa5: {  	s25 =	simm.s32 $0x1B8E;
	s24 =	sld [smem:$0x3FFE];
	[sflag:s23] =	ssyncadd.s32 $0xFFFFFFFF  }
0xa6: {  	s26 =	simm.s32 $execute0_lowered;
	[smem:$0x3FD2] =	sst s25  }
0xa7: {  	s6 =	sshll.u32 s26, $0x1;
	_ =	strace $0x80000046;
	[dreg:$0x1] =	wrdreg $0xFFFFFFFF  }
0xa8: {  	s28 =	simm.s32 $_size_execute0_lowered;
	s4 =	sadd.s32 s4, s6;
	[dreg:$0x0] =	wrdreg $0x0  }
0xa9: {  	s6 =	sshll.u32 s28, $0x1;
	[dreg:$0x2] =	wrdreg s4  }
0xaa: {  	[dreg:$0x3] =	wrdreg s6  }
0xab: {  	[dreg:$0x4] =	wrdreg $0xC0  }
0xac: {  	_ =	task [dreg:s8], $0x5FFFF  }
0xad: {  	[dreg:$0x1] =	wrdreg $0xFFFFFFFF  }
0xae: {  	[dreg:$0x0] =	wrdreg $0x60  }
0xaf: {  	[dreg:$0x2] =	wrdreg s2  }
0xb0: {  	[dreg:$0x3] =	wrdreg s24  }
0xb1: {  	[dreg:$0x4] =	wrdreg s18  }
0xb2: {  	[dreg:$0x5] =	wrdreg $0x9  }
0xb3: {  	_ =	task.clear_ibuf [dreg:s8], $0x6FFFF;
	_ =	strace $0x90000046  }
0xb4: {  	s29 =	simm.s32 $0x9;
	_ =	strace $0x80000048  }
0xb5: {  	_ =	swait.ge [sflag:s29], $0x1  }
0xb6: {  	[sflag:s29] =	ssyncadd.s32 $0xFFFFFFFF  }
0xb7: {  	_ =	strace $0x90000048  }
0xb8: {  	_ =	sfence  }
0xb9: {  	s30 =	sld [smem:$0x0];
	_ =	sdelay $0x2  }
0xba: {  	s31 =	sshll.u32 s1, $0xD;
	s1 =	sshrl.u32 s1, $0x2  }
0xbb: {  	s3 =	sand.u32 $0x4000, s31;
	s1 =	sadd.s32 s1, s30  }
0xbc: {  	s0 =	sor.u32 s3, s0;
	s1 =	sshll.u32 s1, $0x11  }
0xbd: {  	s0 =	sor.u32 s1, s0  }
0xbe: {  	s0 =	sadd.s32 $0x8F2B, s0  }
0xbf: {  	[sflag:s0] =	ssyncadd.remote.s32 $0x1  }
0xc0: {  	_ =	sfence.sel $0xFFFF  }
0xc1: {  	[dreg:$0x0] =	wrdreg $0xFFFFFFFF;
	(pc) =	sbr.abs _section_cstart, $3  }
0xc2: {  	[dreg:$0x1] =	wrdreg $0xFFFFFFFF  }
0xc3: {  	_ =	task.clear_ibuf [dreg:s8], $0x2FFFF;
	_ =	strace $0x9FFFFFFF  }
0xc4: {  	(tm) =	ssettm $0x7FFFFFFF  }
0xc5: {  	_ =	shalt  }
tec
execute0_lowered:
.L_overlay_start_1:
0x0: {  	(tag) =	ssettag $0x1  }
0x1: {  	v0 =	vimm.s32 $0xEFCDAB89  }
0x2: {  	v1 =	vimm.s32 $0x67452301;
	vm0 =	vcmask $0xB08;
	vm1 =	vcmask $0x300  }
0x3: {  	v2 =	vimm.s32 $0xDCFE98BA;
	v3 =	vimm.s32 $0x54761032;
	vm2 =	vcmask $0x700  }
0x4: {  	v4 =	vimm.s32 $0xFEDCBA98;
	v5 =	vimm.s32 $0x76543210;
	vm3 =	vcmask $0xF00  }
0x5: {  	v0 =	vunpack.c.l.s4.s8 v0;
	v1 =	vunpack.c.l.s4.s8 v1;
	vm0 =	vmor vm1, vm0  }
0x6: {  	vm1 =	vcmask $0x1310;
	v2 =	vunpack.c.l.s4.s8 v2;
	v3 =	vunpack.c.l.s4.s8 v3  }
0x7: {  	vm0 =	vmor vm0, vm1;
	vm1 =	vcmask $0x1B18;
	v0 =	vunpack.c.0.s8.s32 v0  }
0x8: {  	v1 =	vunpack.c.0.s8.s32 v1;
	vm0 =	vmor vm0, vm1;
	vm1 =	vcmask $0x2320  }
0x9: {  	v4 =	vunpack.c.l.s4.s8 v4;
	vm0 =	vmor vm0, vm1;
	vm1 =	vcmask $0x2B28  }
0xa: {  	s0 =	rddreg [dreg:$0x1];
	v0 =	vcombine.low v1, v0;
	v1 =	vunpack.c.0.s8.s32 v2;
	v2 =	vunpack.c.0.s8.s32 v3  }
0xb: {  	s3 =	simm.s32 $0x0;
	s1 =	srdreg.scid;
	s4 =	stileid.u32;
	vm0 =	vmor vm0, vm1;
	vm1 =	vcmask $0x3330;
	v3 =	vimm.s32 $0x32107654  }
0xc: {  	s12 =	simm.s32 $0x2;
	s13 =	simm.s32 $0x40;
	s16 =	simm.s32 $0x80;
	vm0 =	vmor vm0, vm1;
	v1 =	vcombine.low v2, v1;
	v2 =	vimm.s32 $0xBA98FEDC  }
0xd: {  	s31 =	simm.s32 $0xFFFFFFE6;
	s14 =	simm.s32 $0xBEC0;
	s15 =	simm.s32 $0x640;
	vm1 =	vcmask $0x3B38;
	v3 =	vunpack.c.l.s4.s8 v3;
	v2 =	vunpack.c.l.s4.s8 v2  }
0xe: {  	s17 =	simm.s32 $0xCEC0;
	s18 =	simm.s32 $0x1;
	s19 =	simm.s32 $0xDED0;
	v6 =	vimm.f32 $0.0e+00;
	v4 =	vunpack.c.0.s8.s32 v4;
	vm0 =	vmor vm0, vm1  }
0xf: {  	s20 =	simm.s32 $0xE550;
	s21 =	simm.s32 $0xEBD0;
	s22 =	simm.s32 $0xF250;
	vm1 =	vcmask $0x1710;
	v3 =	vunpack.c.0.s8.s32 v3;
	v2 =	vunpack.c.0.s8.s32 v2  }
0x10: {  	[smem:$0x7FF] =	sst s3;
	s5 =	sadd.s32 $0x62200, s0;
	s1 =	sand.u32 $0x1, s1;
	v4 =	vand.u32 $0xF, v4;
	v0 =	vand.u32 $0xF, v0;
	vm1 =	vmor vm2, vm1  }
0x11: {  	s6 =	sadd.s32 $0x600, s0;
	s4 =	sshll.u32 s4, $0x1;
	s2 =	ssub.s32 $0x2, s1;
	vm2 =	vcmask $0x2720;
	v2 =	vcombine.low v3, v2;
	v3 =	vunpack.c.l.s4.s8 v5  }
0x12: {  	s0 =	sadd.s32 $0x7C600, s0;
	_ =	strace $0x80000047;
	s30 =	sshrl.u32 s2, $0x1;
	v1 =	vand.u32 $0xF, v1;
	vm1 =	vmor vm1, vm2;
	vm2 =	vcmask $0x3730  }
0x13: {  	[dreg:$0x5] =	wrdreg s0;
	s1 =	sor.u32 s1, s4;
	s0 =	ssub.s32 s2, s30;
	vm1 =	vmor vm1, vm2;
	vm2 =	vcmask $0x2F20;
	v3 =	vunpack.c.0.s8.s32 v3  }
0x14: {  	[dreg:$0x4] =	wrdreg s31;
	s8 =	sshll.u32 s1, $0xA;
	s0 =	smax.u32 s0, $0x1;
	vm2 =	vmor vm3, vm2;
	vm3 =	vmmov $0xff;
	v5 =	vimm.s32 $0x0  }
0x15: {  	s9 =	sshll.u32 s1, $0x4;
	s1 =	simm.s32 $0x0;
	[dreg:$0x6] =	wrdreg s0;
	v2 =	vand.u32 $0xF, v2;
	v3 =	vcombine.low v4, v3;
	v4 =	vlaneseq.u32  }
.LBB2_1:
0x16: {  	[dreg:$0x7] =	wrdreg s1  }
0x17: {  	s0 =	rddreg [dreg:$0x5];
	s31 =	simm.s32 $0xDEC0  }
0x18: {  	[tilespmem:s31], [sflag:$0x2] =	stream.linear.gather [hbm4b:s0+s3], $0x10, $0x38;
	[tilespmem:$0xF8D0] =	vst v63  }
0x19: {  	_ =	swait.ge [sflag:s12], $0x10  }
0x1a: {  	[sflag:s12] =	ssyncset.done $0x0  }
0x1b: {  	[sflag:s12] =	ssyncadd.s32 $0xFFFFFFF0  }
0x1c: {  	v9 =	vld [tilespmem:$0xDEC0];
	_ =	sdelay $0x4  }
0x1d: {  	v7 =	vbroadcast v9, $0x0  }
0x1e: {  	s23 =	simm.s32 $0x0;
	v8 =	vbroadcast v9, $0x1;
	v9 =	vbroadcast v9, $0x2  }
.LBB2_2:
0x1f: {  	s24 =	sadd.s32 s9, s23  }
0x20: {  	s0 =	rddreg [dreg:$0x0];
	s25 =	sshll.u32 s24, $0x3  }
0x21: {  	s26 =	sadd.s32 s0, s25;
	s25 =	simm.s32 $0x0  }
0x22: {  	[tilespmem:s25], [sflag:$0x2] =	stream.linear.gather [hbm4b:s26+s25], $0x40, $0x38;
	[tilespmem:$0xF8D0] =	vst v63  }
0x23: {  	s24 =	smul.u32 $0xD0, s24;
	_ =	swait.ge [sflag:s12], $0x40  }
0x24: {  	[sflag:s12] =	ssyncset.done $0x0  }
0x25: {  	s24 =	sadd.s32 s5, s24;
	[sflag:s12] =	ssyncadd.s32 $0xFFFFFFC0  }
0x26: {  	[tilespmem:s13], [sflag:$0x2] =	stream.linear.gather [hbm4b:s24+s25], $0x680, $0x38;
	[tilespmem:$0xF8D0] =	vst v63  }
0x27: {  	_ =	swait.ge [sflag:s12], $0x680  }
0x28: {  	[sflag:s12] =	ssyncset.done $0x0  }
0x29: {  	s7 =	simm.s32 $0x6C0;
	[sflag:s12] =	ssyncadd.s32 $0xFFFFF980  }
0x2a: {  	[tilespmem:s7], [sflag:$0x1] =	stream.indirect.gather [hbm4b:s6+s13], $0x20, s25, s13, $0xb8;
	[tilespmem:$0xF8D0] =	vst v63  }
0x2b: {  	s10 =	simm.s32 $0xEC0  }
0x2c: {  	[tilespmem:s10], [sflag:$0x1] =	stream.indirect.gather [hbm4b:s6+s16], $0x20, s13, s16, $0xb8;
	[tilespmem:$0xF8D0] =	vst v63  }
0x2d: {  	s11 =	simm.s32 $0xC0;
	s1 =	simm.s32 $0x1EC0  }
0x2e: {  	[tilespmem:s1], [sflag:$0x1] =	stream.indirect.gather [hbm4b:s6+s16], $0x20, s11, s16, $0xb8;
	[tilespmem:$0xF8D0] =	vst v63  }
0x2f: {  	s26 =	simm.s32 $0x2EC0;
	s24 =	simm.s32 $0x140  }
0x30: {  	[tilespmem:s26], [sflag:$0x1] =	stream.indirect.gather [hbm4b:s6+s16], $0x20, s24, s16, $0xb8;
	[tilespmem:$0xF8D0] =	vst v63  }
0x31: {  	s30 =	simm.s32 $0x1C0;
	s31 =	simm.s32 $0x3EC0  }
0x32: {  	[tilespmem:s31], [sflag:$0x1] =	stream.indirect.gather [hbm4b:s6+s16], $0x20, s30, s16, $0xb8;
	[tilespmem:$0xF8D0] =	vst v63  }
0x33: {  	s2 =	simm.s32 $0x4EC0;
	s1 =	simm.s32 $0x240  }
0x34: {  	[tilespmem:s2], [sflag:$0x1] =	stream.indirect.gather [hbm4b:s6+s16], $0x20, s1, s16, $0xb8;
	[tilespmem:$0xF8D0] =	vst v63  }
0x35: {  	s4 =	simm.s32 $0x2C0;
	s7 =	simm.s32 $0x5EC0  }
0x36: {  	[tilespmem:s7], [sflag:$0x1] =	stream.indirect.gather [hbm4b:s6+s16], $0x20, s4, s16, $0xb8;
	[tilespmem:$0xF8D0] =	vst v63  }
0x37: {  	s10 =	simm.s32 $0x340;
	s11 =	simm.s32 $0x6EC0  }
0x38: {  	[tilespmem:s11], [sflag:$0x1] =	stream.indirect.gather [hbm4b:s6+s16], $0x20, s10, s16, $0xb8;
	[tilespmem:$0xF8D0] =	vst v63  }
0x39: {  	s24 =	simm.s32 $0x3C0;
	s26 =	simm.s32 $0x7EC0  }
0x3a: {  	[tilespmem:s26], [sflag:$0x1] =	stream.indirect.gather [hbm4b:s6+s16], $0x20, s24, s16, $0xb8;
	[tilespmem:$0xF8D0] =	vst v63  }
0x3b: {  	s30 =	simm.s32 $0x440;
	s31 =	simm.s32 $0x8EC0  }
0x3c: {  	[tilespmem:s31], [sflag:$0x1] =	stream.indirect.gather [hbm4b:s6+s16], $0x20, s30, s16, $0xb8;
	[tilespmem:$0xF8D0] =	vst v63  }
0x3d: {  	s1 =	simm.s32 $0x4C0;
	s2 =	simm.s32 $0x9EC0  }
0x3e: {  	[tilespmem:s2], [sflag:$0x1] =	stream.indirect.gather [hbm4b:s6+s16], $0x20, s1, s16, $0xb8;
	[tilespmem:$0xF8D0] =	vst v63  }
0x3f: {  	s4 =	simm.s32 $0x540;
	s7 =	simm.s32 $0xAEC0  }
0x40: {  	[tilespmem:s7], [sflag:$0x1] =	stream.indirect.gather [hbm4b:s6+s16], $0x20, s4, s16, $0xb8;
	[tilespmem:$0xF8D0] =	vst v63  }
0x41: {  	s10 =	simm.s32 $0x5C0  }
0x42: {  	[tilespmem:s14], [sflag:$0x1] =	stream.indirect.gather [hbm4b:s6+s16], $0x20, s10, s16, $0xb8;
	[tilespmem:$0xF8D0] =	vst v63  }
0x43: {  	_ = 	snop  }
0x44: {  	[tilespmem:s17], [sflag:$0x1] =	stream.indirect.gather [hbm4b:s6+s16], $0x20, s15, s16, $0xb8;
	[tilespmem:$0xF8D0] =	vst v63  }
0x45: {  	_ =	swait.ge [sflag:s18], $0x800  }
0x46: {  	[sflag:s18] =	ssyncset.done $0x0  }
0x47: {  	[sflag:s18] =	ssyncadd.s32 $0xFFFFF800  }
0x48: {  	_ =	swait.ge [sflag:s18], $0x1000  }
0x49: {  	[sflag:s18] =	ssyncset.done $0x0  }
0x4a: {  	[sflag:s18] =	ssyncadd.s32 $0xFFFFF000  }
0x4b: {  	_ =	swait.ge [sflag:s18], $0x1000  }
0x4c: {  	[sflag:s18] =	ssyncset.done $0x0  }
0x4d: {  	[sflag:s18] =	ssyncadd.s32 $0xFFFFF000  }
0x4e: {  	_ =	swait.ge [sflag:s18], $0x1000  }
0x4f: {  	[sflag:s18] =	ssyncset.done $0x0  }
0x50: {  	[sflag:s18] =	ssyncadd.s32 $0xFFFFF000  }
0x51: {  	_ =	swait.ge [sflag:s18], $0x1000  }
0x52: {  	[sflag:s18] =	ssyncset.done $0x0  }
0x53: {  	[sflag:s18] =	ssyncadd.s32 $0xFFFFF000  }
0x54: {  	_ =	swait.ge [sflag:s18], $0x1000  }
0x55: {  	[sflag:s18] =	ssyncset.done $0x0  }
0x56: {  	[sflag:s18] =	ssyncadd.s32 $0xFFFFF000  }
0x57: {  	_ =	swait.ge [sflag:s18], $0x1000  }
0x58: {  	[sflag:s18] =	ssyncset.done $0x0  }
0x59: {  	[sflag:s18] =	ssyncadd.s32 $0xFFFFF000  }
0x5a: {  	_ =	swait.ge [sflag:s18], $0x1000  }
0x5b: {  	[sflag:s18] =	ssyncset.done $0x0  }
0x5c: {  	[sflag:s18] =	ssyncadd.s32 $0xFFFFF000  }
0x5d: {  	_ =	swait.ge [sflag:s18], $0x1000  }
0x5e: {  	[sflag:s18] =	ssyncset.done $0x0  }
0x5f: {  	[sflag:s18] =	ssyncadd.s32 $0xFFFFF000  }
0x60: {  	_ =	swait.ge [sflag:s18], $0x1000  }
0x61: {  	[sflag:s18] =	ssyncset.done $0x0  }
0x62: {  	[sflag:s18] =	ssyncadd.s32 $0xFFFFF000  }
0x63: {  	_ =	swait.ge [sflag:s18], $0x1000  }
0x64: {  	[sflag:s18] =	ssyncset.done $0x0  }
0x65: {  	[sflag:s18] =	ssyncadd.s32 $0xFFFFF000  }
0x66: {  	_ =	swait.ge [sflag:s18], $0x1000  }
0x67: {  	[sflag:s18] =	ssyncset.done $0x0  }
0x68: {  	[sflag:s18] =	ssyncadd.s32 $0xFFFFF000  }
0x69: {  	p0 =	por $0x0, $0x0;
	s29 =	simm.s32 $0x1;
	_ =	swait.ge [sflag:s18], $0x1000  }
0x6a: {  	s24 =	simm.s32 $0x1;
	s26 =	simm.s32 $0x1;
	[sflag:s18] =	ssyncset.done $0x0  }
0x6b: {  	s24 =	simm.s32 @!p0 $0x0;
	p0 =	por $0x0, $0x0;
	[sflag:s18] =	ssyncadd.s32 $0xFFFFF000  }
0x6c: {  	s24 =	sadd.s32 $0x0, s24;
	s26 =	simm.s32 @!p0 $0x0;
	_ =	swait.ge [sflag:s18], $0x1000  }
0x6d: {  	p0 =	por $0x0, $0x0;
	s24 =	sshll.u32 s24, $0x7;
	[sflag:s18] =	ssyncset.done $0x0  }
0x6e: {  	s26 =	sadd.s32 $0x0, s26;
	s28 =	sshra.s32 s24, $0x2;
	[sflag:s18] =	ssyncadd.s32 $0xFFFFF000  }
0x6f: {  	s29 =	simm.s32 @!p0 $0x0;
	s24 =	simm.s32 $0xFC0;
	s26 =	sshll.u32 s26, $0x7;
	v13 =	vld [tilespmem:s28+$0x6C0]  }
0x70: {  	s29 =	sadd.s32 $0x0, s29;
	s26 =	sshra.s32 s26, $0x2;
	v12 =	vld [tilespmem:s24+$0x90]  }
0x71: {  	s29 =	sshll.u32 s29, $0x7;
	v10 =	vld [tilespmem:s26+$0x6C0]  }
0x72: {  	s29 =	sshra.s32 s29, $0x2;
	v11 =	vld [tilespmem:s26+$0x6D0]  }
0x73: {  	v18 =	vld [tilespmem:s29+$0x6D0]  }
0x74: {  	v19 =	vld [tilespmem:s29+$0x6C0]  }
0x75: {  	v20 =	vld [tilespmem:s24+$0x70]  }
0x76: {  	v21 =	vld [tilespmem:s24+$0x60]  }
0x77: {  	v16 =	vld [tilespmem:s28+$0x6D0]  }
0x78: {  	v17 =	vld [tilespmem:s24+$0xFFFFFFD0]  }
0x79: {  	v22 =	vld [tilespmem:s24+$0x10]  }
0x7a: {  	v23 =	vld [tilespmem:s24+$0x0]  }
0x7b: {  	v24 =	vld [tilespmem:s24+$0xFFFFFF80]  }
0x7c: {  	v25 =	vld [tilespmem:s24+$0xFFFFFFB0]  }
0x7d: {  	v26 =	vld [tilespmem:s24+$0xFFFFFF90]  }
0x7e: {  	v27 =	vld [tilespmem:s24+$0xFFFFFF10]  }
0x7f: {  	v28 =	vld [tilespmem:s24+$0xFFFFFF00]  }
0x80: {  	v29 =	vld [tilespmem:s24+$0xFFFFFF30]  }
0x81: {  	v30 =	vld [tilespmem:s24+$0xFFFFFF20]  }
0x82: {  	v31 =	vld [tilespmem:s24+$0xFFFFFF50]  }
0x83: {  	p0 =	por $0x0, $0x0;
	s26 =	simm.s32 $0x1;
	v32 =	vld [tilespmem:s24+$0xFFFFFF40]  }
0x84: {  	v37 =	vld [tilespmem:s24+$0xFFFFFF60];
	s26 =	simm.s32 @!p0 $0x0  }
0x85: {  	v42 =	vld [tilespmem:s24+$0xFFFFFF70];
	s26 =	sadd.s32 $0x0, s26  }
0x86: {  	v63 =	vld [tilespmem:s24+$0xFFFFFFF0];
	s26 =	sshll.u32 s26, $0x7  }
0x87: {  	v46 =	vld [tilespmem:s24+$0xFFFFFFA0];
	s26 =	sshra.s32 s26, $0x2  }
0x88: {  	v14 =	vld [tilespmem:s26+$0x6D0]  }
0x89: {  	p0 =	por $0x0, $0x0;
	v15 =	vld [tilespmem:s26+$0x6C0];
	s26 =	simm.s32 $0x1  }
0x8a: {  	v51 =	vld [tilespmem:s24+$0xFFFFFFE0];
	s26 =	simm.s32 @!p0 $0x0  }
0x8b: {  	s28 =	simm.s32 $0x1;
	v52 =	vld [tilespmem:s24+$0xFFFFFFC0];
	p0 =	por $0x0, $0x0;
	s26 =	sadd.s32 $0x0, s26  }
0x8c: {  	s29 =	simm.s32 $0x1;
	v53 =	vld [tilespmem:s24+$0x50];
	s28 =	simm.s32 @!p0 $0x0;
	s26 =	sshll.u32 s26, $0x7  }
0x8d: {  	v55 =	vld [tilespmem:s24+$0x40];
	p0 =	por $0x0, $0x0;
	s28 =	sadd.s32 $0x0, s28;
	s26 =	sshra.s32 s26, $0x2  }
0x8e: {  	s29 =	simm.s32 @!p0 $0x0;
	p0 =	por $0x0, $0x0;
	s28 =	sshll.u32 s28, $0x7;
	v33 =	vld [tilespmem:s26+$0x6D0]  }
0x8f: {  	s29 =	sadd.s32 $0x0, s29;
	s28 =	sshra.s32 s28, $0x2;
	v34 =	vld [tilespmem:s26+$0x6C0];
	s26 =	simm.s32 $0x1  }
0x90: {  	p1 =	por $0x0, $0x0;
	s29 =	sshll.u32 s29, $0x7;
	v35 =	vld [tilespmem:s28+$0x6C0];
	s26 =	simm.s32 @!p0 $0x0  }
0x91: {  	v36 =	vld [tilespmem:s28+$0x6D0];
	s28 =	simm.s32 $0x1;
	s29 =	sshra.s32 s29, $0x2;
	s26 =	sadd.s32 $0x0, s26  }
0x92: {  	p0 =	por $0x0, $0x0;
	s28 =	simm.s32 @!p1 $0x0;
	v38 =	vld [tilespmem:s29+$0x6D0];
	s26 =	sshll.u32 s26, $0x7  }
0x93: {  	v39 =	vld [tilespmem:s29+$0x6C0];
	s29 =	simm.s32 $0x1;
	s28 =	sadd.s32 $0x0, s28;
	s26 =	sshra.s32 s26, $0x2  }
0x94: {  	v19 =	vmul.f32 v19, v21;
	v18 =	vmul.f32 v18, v20;
	s29 =	simm.s32 @!p0 $0x0;
	s28 =	sshll.u32 s28, $0x7;
	v40 =	vld [tilespmem:s26+$0x6C0]  }
0x95: {  	v13 =	vmul.f32 v13, v52;
	v16 =	vmul.f32 v16, v17;
	s29 =	sadd.s32 $0x0, s29;
	v41 =	vld [tilespmem:s26+$0x6D0];
	s28 =	sshra.s32 s28, $0x2  }
0x96: {  	s29 =	sshll.u32 s29, $0x7;
	v58 =	vmul.f32 v33, v42;
	v59 =	vmul.f32 v34, v37;
	v43 =	vld [tilespmem:s28+$0x6D0]  }
0x97: {  	v18 =	vadd.f32 v18, v19;
	v15 =	vmul.f32 v15, v55;
	v14 =	vmul.f32 v14, v53;
	p0 =	por $0x0, $0x0;
	s26 =	simm.s32 $0x1;
	s29 =	sshra.s32 s29, $0x2;
	v44 =	vld [tilespmem:s28+$0x6C0]  }
0x98: {  	s26 =	simm.s32 @!p0 $0x0;
	v61 =	vmul.f32 v35, v32;
	v31 =	vmul.f32 v36, v31;
	v45 =	vld [tilespmem:s29+$0x6D0];
	v21 =	vadd.f32 v58, v59  }
0x99: {  	v13 =	vadd.f32 v16, v13;
	v14 =	vadd.f32 v14, v15;
	v42 =	vperm.xlane v18, v0;
	s26 =	sadd.s32 $0x0, s26;
	v62 =	vld [tilespmem:s29+$0x6C0]  }
0x9a: {  	v33 =	vld [tilespmem:s24+$0xE0];
	p0 =	por $0x0, $0x0;
	s28 =	simm.s32 $0x1;
	v23 =	vmul.f32 v39, v23;
	s26 =	sshll.u32 s26, $0x7;
	v19 =	vadd.f32 v31, v61;
	v47 =	vperm.xlane v21, v0  }
0x9b: {  	v32 =	vld [tilespmem:s24+$0xC0];
	s28 =	simm.s32 @!p0 $0x0;
	v18 =	vadd.f32 v42, v18;
	s26 =	sshra.s32 s26, $0x2;
	v30 =	vmul.f32 v40, v30;
	v29 =	vmul.f32 v41, v29  }
0x9c: {  	v54 =	vmul.f32 v38, v22;
	s11 =	sadd.s32 $0x0, s28;
	v57 =	vld [tilespmem:s26+$0x6D0];
	v49 =	vperm.xlane v19, v0;
	v21 =	vadd.f32 v47, v21  }
0x9d: {  	v60 =	vld [tilespmem:s26+$0x6C0];
	s26 =	sshll.u32 s11, $0x7;
	v28 =	vmul.f32 v44, v28;
	v27 =	vmul.f32 v43, v27;
	v29 =	vadd.f32 v29, v30  }
0x9e: {  	v42 =	vld [tilespmem:s24+$0xF0];
	s26 =	sshra.s32 s26, $0x2;
	v19 =	vadd.f32 v49, v19;
	v25 =	vmul.f32 v45, v25;
	v31 =	vmul.f32 v62, v46  }
0x9f: {  	v48 =	vld [tilespmem:s26+$0x6D0];
	v46 =	vperm.xlane v13, v0;
	v49 =	vperm.xlane v14, v0  }
0xa0: {  	p0 =	por $0x0, $0x0;
	v50 =	vld [tilespmem:s26+$0x6C0];
	s26 =	simm.s32 $0x1;
	v27 =	vadd.f32 v27, v28;
	v19 =	vsel vm0, v19, v21;
	v58 =	vperm.xlane v29, v0  }
0xa1: {  	v30 =	vld [tilespmem:s24+$0x20];
	s26 =	simm.s32 @!p0 $0x0;
	v21 =	vadd.f32 v54, v23;
	v25 =	vadd.f32 v25, v31;
	v20 =	vmul.f32 v57, v26  }
0xa2: {  	v62 =	vld [tilespmem:s24+$0x30];
	s26 =	sadd.s32 $0x0, s26;
	v13 =	vadd.f32 v46, v13;
	v24 =	vmul.f32 v60, v24;
	v56 =	vperm.xlane v27, v0  }
0xa3: {  	v14 =	vadd.f32 v49, v14;
	v57 =	vadd.s32 s25, v4;
	s26 =	sshll.u32 s26, $0x7;
	v29 =	vadd.f32 v58, v29;
	v58 =	vld [tilespmem:s24+$0xA0]  }
0xa4: {  	p0 =	por $0x0, $0x0;
	v60 =	vperm.xlane v19, v1;
	s30 =	sshra.s32 s26, $0x2;
	s26 =	simm.s32 $0x1;
	v20 =	vadd.f32 v20, v24;
	v24 =	vadd.f32 v56, v27;
	v27 =	vld [tilespmem:s24+$0xD0]  }
0xa5: {  	vm4 =	vgt.s32 v57, $0x19;
	v41 =	vperm.xlane v25, v0;
	v59 =	vmul.f32 v48, v63;
	s26 =	simm.s32 @!p0 $0x0;
	v63 =	vld [tilespmem:s30+$0x6D0]  }
0xa6: {  	s29 =	simm.s32 $0x0;
	v47 =	vperm.xlane v21, v0;
	v34 =	vsel vm4, $0x1, v5;
	v61 =	vmul.f32 v50, v51;
	v44 =	vld [tilespmem:s30+$0x6C0];
	s26 =	sadd.s32 $0x0, s26  }
0xa7: {  	v14 =	vsel vm0, v14, v18;
	v34 =	vadd.s32 s25, v34;
	v24 =	vsel vm0, v24, v29;
	s26 =	sshll.u32 s26, $0x7;
	v29 =	vld [tilespmem:s29+$0x40]  }
0xa8: {  	v19 =	vadd.f32 v60, v19;
	p0 =	por $0x0, $0x0;
	s25 =	simm.s32 $0x1;
	v40 =	vperm.xlane v20, v0;
	v23 =	vadd.f32 v59, v61;
	v61 =	vld [tilespmem:s24+$0x80];
	s26 =	sshra.s32 s26, $0x2  }
0xa9: {  	v60 =	vperm.xlane v14, v1;
	v25 =	vadd.f32 v41, v25;
	s25 =	simm.s32 @!p0 $0x0;
	v43 =	vperm.xlane v24, v1;
	v15 =	vld [tilespmem:s26+$0x6C0]  }
0xaa: {  	s28 =	simm.s32 $0x1;
	v39 =	vadd.f32 v47, v21;
	p0 =	por $0x0, $0x0;
	s25 =	sadd.s32 $0x0, s25;
	v20 =	vadd.f32 v40, v20;
	v45 =	vperm.xlane v23, v0;
	v48 =	vld [tilespmem:s26+$0x6D0]  }
0xab: {  	s28 =	simm.s32 @!p0 $0x0;
	s25 =	sshll.u32 s25, $0x7;
	v10 =	vmul.f32 v10, v58;
	v24 =	vadd.f32 v43, v24;
	v17 =	vmul.f32 v63, v62;
	v63 =	vld [tilespmem:s24+$0xB0]  }
0xac: {  	s28 =	sadd.s32 $0x0, s28;
	s25 =	sshra.s32 s25, $0x2;
	v16 =	vmul.f32 v44, v30;
	v22 =	vld.idx.msk [tilespmem:v34+s3+$0x0], $0xffff;
	v23 =	vadd.f32 v45, v23;
	v20 =	vsel vm0, v20, v25  }
0xad: {  	s31 =	sshll.u32 s28, $0x7;
	v50 =	vld [tilespmem:s25+$0x6D0];
	v19 =	vsel vm1, v24, v19;
	v51 =	vperm.xlane v20, v1;
	v56 =	vcvt.s32.f32 v29  }
0xae: {  	s26 =	sshra.s32 s31, $0x2;
	v52 =	vld [tilespmem:s25+$0x6C0];
	v16 =	vadd.f32 v17, v16;
	v34 =	vperm.xlane v19, v2;
	v13 =	vsel vm0, v13, v23  }
0xaf: {  	v14 =	vadd.f32 v60, v14;
	v54 =	vld [tilespmem:s26+$0x6D0];
	v53 =	vperm.xlane v13, v1;
	v26 =	vmul.f32 v48, v42  }
0xb0: {  	v57 =	vld [tilespmem:s26+$0x6C0];
	v20 =	vadd.f32 v51, v20;
	v15 =	vmul.f32 v15, v33;
	v46 =	vperm.xlane v16, v0  }
0xb1: {  	v62 =	vadd.f32 $5.000000000e-01, v56;
	v11 =	vmul.f32 v11, v63;
	v55 =	vcvt.s32.f32 v22  }
0xb2: {  	v19 =	vadd.f32 v34, v19;
	v13 =	vadd.f32 v53, v13;
	v25 =	vmul.f32 v50, v27  }
0xb3: {  	v23 =	vmul.f32 v52, v32;
	v15 =	vadd.f32 v26, v15;
	v59 =	vadd.f32 $5.000000000e-01, v55  }
0xb4: {  	v42 =	vmul.f32 $3.999999900e-04, v62;
	v16 =	vadd.f32 v46, v16;
	v12 =	vmul.f32 v54, v12  }
0xb5: {  	v44 =	vmul.f32 v57, v61;
	v10 =	vadd.f32 v11, v10;
	v36 =	vmul.f32 $3.999999900e-04, v59  }
0xb6: {  	v45 =	vadd.f32 v25, v23;
	v26 =	vtrunc.f32 v42;
	v11 =	vperm.xlane v15, v0  }
0xb7: {  	v16 =	vsel vm0, v39, v16;
	v26 =	vcvt.f32.s32 v26;
	v41 =	vtrunc.f32 v36  }
0xb8: {  	v12 =	vadd.f32 v12, v44;
	v52 =	vperm.xlane v10, v0;
	v43 =	vcvt.f32.s32 v41  }
0xb9: {  	v54 =	vperm.xlane v16, v1;
	v48 =	vperm.xlane v45, v0;
	v50 =	vmul.u32 $0xFFFFF63C, v26  }
0xba: {  	v11 =	vadd.f32 v11, v15;
	v51 =	vperm.xlane v12, v0;
	v47 =	vmul.u32 $0xFFFFF63C, v43  }
0xbb: {  	v10 =	vadd.f32 v52, v10;
	v18 =	vadd.f32 v48, v45;
	v15 =	vadd.s32 v29, v50  }
0xbc: {  	v12 =	vadd.f32 v51, v12;
	v53 =	vcvt.s32.f32 v15;
	v22 =	vadd.s32 v22, v47  }
0xbd: {  	v13 =	vsel vm1, v20, v13;
	v16 =	vadd.f32 v54, v16;
	v49 =	vcvt.s32.f32 v22  }
0xbe: {  	v11 =	vsel vm0, v18, v11;
	v10 =	vsel vm0, v12, v10;
	v12 =	vadd.f32 $5.000000000e-01, v53  }
0xbf: {  	v57 =	vperm.xlane v11, v1;
	v56 =	vperm.xlane v10, v1;
	v23 =	vadd.f32 $5.000000000e-01, v49  }
0xc0: {  	v40 =	vperm.xlane v13, v2;
	v14 =	vsel vm1, v16, v14;
	v12 =	vmul.f32 $1.999999960e-02, v12  }
0xc1: {  	v11 =	vadd.f32 v57, v11;
	v10 =	vadd.f32 v56, v10;
	v55 =	vmul.f32 $1.999999960e-02, v23  }
0xc2: {  	v13 =	vadd.f32 v40, v13;
	v59 =	vperm.xlane v14, v2;
	v12 =	vtrunc.f32 v12  }
0xc3: {  	v10 =	vsel vm1, v10, v11;
	v12 =	vcvt.f32.s32 v12;
	v58 =	vtrunc.f32 v55  }
0xc4: {  	v11 =	vadd.f32 v59, v14;
	v14 =	vperm.xlane v10, v2;
	v16 =	vcvt.f32.s32 v58  }
0xc5: {  	v13 =	vsel vm2, v19, v13;
	v17 =	vsub.s32 v43, v26;
	v60 =	vmul.u32 $0x32, v12  }
0xc6: {  	v15 =	vsub.s32 v22, v15;
	v10 =	vadd.f32 v14, v10;
	v61 =	vmul.u32 $0xFFFFFFCE, v16  }
0xc7: {  	v14 =	vadd.s32 v60, v15;
	v15 =	vmul.u32 v17, v17;
	v12 =	vsub.s32 v16, v12  }
0xc8: {  	v11 =	vsel vm2, v11, v10;
	v12 =	vmul.u32 v12, v12;
	v14 =	vadd.s32 v61, v14  }
0xc9: {  	v62 =	vperm.xlane v13, v3;
	v63 =	vperm.xlane v11, v3;
	v14 =	vmul.u32 v14, v14  }
0xca: {  	p0 =	por $0x0, $0x0;
	s28 =	rddreg [dreg:$0x4];
	s26 =	simm.s32 $0x1;
	v12 =	vadd.s32 v15, v12  }
0xcb: {  	s28 =	simm.s32 @!p0 $0x0;
	s26 =	simm.s32 @!p0 $0x0;
	v10 =	vadd.f32 v62, v13;
	v13 =	vadd.s32 v14, v12;
	v12 =	vadd.f32 v63, v11  }
0xcc: {  	s25 =	simm.s32 $0x40;
	vm4 =	vgt.s32 v29, $0xFFFFFFFF;
	s28 =	sadd.s32 $0x10, s28;
	s26 =	sadd.s32 $0x0, s26;
	v11 =	vcvt.s32.f32 v13  }
.LBB2_3:
0xcd: {  	v10 =	vsel vm3, v10, v12  }
0xce: {  	vm6 =	vge.f32 v8, v11;
	vm7 =	vge.f32 v10, v9  }
0xcf: {  	s31 =	sadd.s32 $0x6, s28;
	vm5 =	vge.f32 v7, v11;
	vm8 =	vlt.f32 v7, v11;
	vm6 =	vmand vm6, vm7  }
0xd0: {  	s0 =	simm.s32 $0x1;
	p1 =	sgt.s32 s31, $0x19;
	v10 =	vnsel vm4, $0x0, v10;
	vm5 =	vmand vm4, vm5;
	vm6 =	vmand vm6, vm8  }
0xd1: {  	s0 =	simm.s32 @!p1 $0x0;
	[tilespmem:s29+$0xF250] =	vst v10;
	vm7 =	vmxor vm4, vm5;
	v11 =	vsel vm5, $0x3F800000, v6;
	vm5 =	vmand vm4, vm6  }
0xd2: {  	s0 =	sadd.s32 s0, s26;
	[tilespmem:s29+$0xDED0] =	vst v11;
	vm4 =	vmxor vm7, vm5;
	v11 =	vsel vm5, $0x3F800000, v6  }
0xd3: {  	s0 =	sshll.u32 s0, $0x7;
	[tilespmem:s29+$0xE550] =	vst v11;
	v10 =	vsel vm4, $0x3F800000, v6  }
0xd4: {  	s0 =	sshra.s32 s0, $0x2;
	[tilespmem:s29+$0xEBD0] =	vst v10  }
0xd5: {  	s24 =	sadd.s32 $0x200, s24;
	v14 =	vld [tilespmem:s0+$0x6C0]  }
0xd6: {  	v10 =	vld [tilespmem:s24+$0x90]  }
0xd7: {  	v21 =	vld [tilespmem:s24+$0x70]  }
0xd8: {  	v22 =	vld [tilespmem:s24+$0x60]  }
0xd9: {  	v16 =	vld [tilespmem:s0+$0x6D0]  }
0xda: {  	v18 =	vld [tilespmem:s24+$0xFFFFFFD0]  }
0xdb: {  	v19 =	vld [tilespmem:s24+$0x10]  }
0xdc: {  	v58 =	vld [tilespmem:s24+$0x0]  }
0xdd: {  	v59 =	vld [tilespmem:s24+$0xFFFFFF80]  }
0xde: {  	v60 =	vld [tilespmem:s24+$0xFFFFFFB0]  }
0xdf: {  	v23 =	vld [tilespmem:s24+$0xFFFFFF90]  }
0xe0: {  	v25 =	vld [tilespmem:s24+$0xFFFFFF10]  }
0xe1: {  	v26 =	vld [tilespmem:s24+$0xFFFFFF00]  }
0xe2: {  	s30 =	sadd.s32 $0x3, s28;
	v61 =	vld [tilespmem:s24+$0xFFFFFF30]  }
0xe3: {  	p0 =	sgt.s32 s30, $0x19;
	s31 =	simm.s32 $0x1;
	v27 =	vld [tilespmem:s24+$0xFFFFFF20]  }
0xe4: {  	s2 =	sadd.s32 $0xA, s28;
	s31 =	simm.s32 @!p0 $0x0;
	v28 =	vld [tilespmem:s24+$0xFFFFFF50]  }
0xe5: {  	p0 =	sgt.s32 s2, $0x19;
	s4 =	sadd.s32 s31, s26;
	s31 =	simm.s32 $0x1;
	v29 =	vld [tilespmem:s24+$0xFFFFFF40]  }
0xe6: {  	s31 =	simm.s32 @!p0 $0x0;
	s30 =	sshll.u32 s4, $0x7;
	v30 =	vld [tilespmem:s24+$0xFFFFFF60]  }
0xe7: {  	s4 =	sadd.s32 s31, s26;
	s31 =	sshra.s32 s30, $0x2;
	v31 =	vld [tilespmem:s24+$0xFFFFFF70]  }
0xe8: {  	v32 =	vld [tilespmem:s31+$0x6D0]  }
0xe9: {  	s11 =	sadd.s32 $0xD, s28;
	v33 =	vld [tilespmem:s31+$0x6C0]  }
0xea: {  	s7 =	sadd.s32 $0xB, s28;
	s1 =	sadd.s32 $0x2, s28;
	p1 =	sgt.s32 s11, $0x19;
	v47 =	vld [tilespmem:s24+$0xFFFFFFF0]  }
0xeb: {  	s2 =	sadd.s32 $0x4, s28;
	s4 =	sshll.u32 s4, $0x7;
	s29 =	simm.s32 $0x1;
	v48 =	vld [tilespmem:s24+$0xFFFFFFA0]  }
0xec: {  	s29 =	simm.s32 @!p1 $0x0;
	p1 =	sgt.s32 s7, $0x19;
	s0 =	sadd.s32 $0x5, s28;
	v51 =	vld [tilespmem:s24+$0xFFFFFFE0]  }
0xed: {  	s7 =	sadd.s32 $0x9, s28;
	v53 =	vld [tilespmem:s24+$0xFFFFFFC0];
	s10 =	sadd.s32 s29, s26;
	s29 =	simm.s32 $0x1  }
0xee: {  	v56 =	vld [tilespmem:s24+$0x50];
	p2 =	sgt.s32 s0, $0x19;
	p3 =	sgt.s32 s7, $0x19;
	s11 =	sshll.u32 s10, $0x7  }
0xef: {  	v57 =	vld [tilespmem:s24+$0x40];
	s0 =	simm.s32 $0x1;
	s29 =	simm.s32 @!p1 $0x0;
	s11 =	sshra.s32 s11, $0x2  }
0xf0: {  	s7 =	simm.s32 $0x1;
	p1 =	sgt.s32 s28, $0x19;
	s29 =	sadd.s32 s29, s26;
	v11 =	vld [tilespmem:s11+$0x6C0]  }
0xf1: {  	s29 =	sshll.u32 s29, $0x7;
	v12 =	vld [tilespmem:s11+$0x6D0];
	s11 =	sshra.s32 s4, $0x2;
	s4 =	simm.s32 $0x1  }
0xf2: {  	s10 =	sadd.s32 $0xF, s28;
	s29 =	sshra.s32 s29, $0x2;
	v15 =	vld [tilespmem:s11+$0x6D0];
	s4 =	simm.s32 @!p1 $0x0  }
0xf3: {  	v17 =	vld [tilespmem:s11+$0x6C0];
	s11 =	sadd.s32 $0x1, s28;
	p1 =	sgt.s32 s1, $0x19;
	s4 =	sadd.s32 s4, s26  }
0xf4: {  	s1 =	simm.s32 $0x1;
	v13 =	vld [tilespmem:s29+$0x6D0];
	s0 =	simm.s32 @!p1 $0x0;
	s4 =	sshll.u32 s4, $0x7  }
0xf5: {  	v20 =	vld [tilespmem:s29+$0x6C0];
	s29 =	sadd.s32 $0x8, s28;
	s0 =	sadd.s32 s0, s26;
	s4 =	sshra.s32 s4, $0x2  }
0xf6: {  	s1 =	simm.s32 @!p2 $0x0;
	p2 =	sgt.s32 s11, $0x19;
	s0 =	sshll.u32 s0, $0x7;
	v62 =	vld [tilespmem:s4+$0x6D0]  }
0xf7: {  	s11 =	simm.s32 $0x1;
	s1 =	sadd.s32 s1, s26;
	s0 =	sshra.s32 s0, $0x2;
	v40 =	vld [tilespmem:s4+$0x6C0]  }
0xf8: {  	p1 =	sgt.s32 s29, $0x19;
	s11 =	simm.s32 @!p2 $0x0;
	s1 =	sshll.u32 s1, $0x7;
	v34 =	vld [tilespmem:s0+$0x6C0]  }
0xf9: {  	s29 =	simm.s32 $0x1;
	s11 =	sadd.s32 s11, s26;
	s1 =	sshra.s32 s1, $0x2;
	v35 =	vld [tilespmem:s0+$0x6D0]  }
0xfa: {  	s7 =	simm.s32 @!p3 $0x0;
	v31 =	vmul.f32 v32, v31;
	v30 =	vmul.f32 v33, v30;
	s29 =	simm.s32 @!p1 $0x0;
	s11 =	sshll.u32 s11, $0x7;
	v41 =	vld [tilespmem:s1+$0x6D0]  }
0xfb: {  	s7 =	sadd.s32 s7, s26;
	s29 =	sadd.s32 s29, s26;
	s11 =	sshra.s32 s11, $0x2;
	v45 =	vld [tilespmem:s1+$0x6C0]  }
0xfc: {  	v30 =	vadd.f32 v31, v30;
	p1 =	sgt.s32 s2, $0x19;
	s29 =	sshll.u32 s29, $0x7;
	s0 =	simm.s32 $0x1;
	v22 =	vmul.f32 v20, v22;
	v13 =	vmul.f32 v13, v21;
	v37 =	vld [tilespmem:s11+$0x6C0]  }
0xfd: {  	s7 =	sshll.u32 s7, $0x7;
	v14 =	vmul.f32 v14, v53;
	v16 =	vmul.f32 v16, v18;
	s31 =	sshra.s32 s29, $0x2;
	s0 =	simm.s32 @!p1 $0x0;
	v38 =	vld [tilespmem:s11+$0x6D0]  }
0xfe: {  	v42 =	vperm.xlane v30, v0;
	v17 =	vmul.f32 v17, v57;
	s1 =	simm.s32 $0x1;
	s29 =	sshra.s32 s7, $0x2;
	v36 =	vld [tilespmem:s31+$0x6D0];
	s0 =	sadd.s32 s0, s26;
	v13 =	vadd.f32 v13, v22  }
0xff: {  	v15 =	vmul.f32 v15, v56;
	p1 =	sgt.s32 s10, $0x19;
	s11 =	sadd.s32 $0xE, s28;
	v63 =	vld [tilespmem:s31+$0x6C0];
	s0 =	sshll.u32 s0, $0x7;
	v26 =	vmul.f32 v40, v26  }
0x100: {  	s10 =	simm.s32 $0x1;
	v30 =	vadd.f32 v42, v30;
	v42 =	vld [tilespmem:s29+$0x6D0];
	p2 =	sgt.s32 s11, $0x19;
	s0 =	sshra.s32 s0, $0x2;
	v25 =	vmul.f32 v62, v25;
	v24 =	vperm.xlane v13, v0  }
0x101: {  	s7 =	sadd.s32 $0x7, s28;
	s10 =	simm.s32 @!p1 $0x0;
	s1 =	simm.s32 @!p2 $0x0;
	v29 =	vmul.f32 v34, v29;
	v28 =	vmul.f32 v35, v28;
	v43 =	vld [tilespmem:s0+$0x6D0]  }
0x102: {  	p1 =	sgt.s32 s7, $0x19;
	s1 =	sadd.s32 s1, s26;
	v44 =	vld [tilespmem:s0+$0x6C0];
	s0 =	simm.s32 $0x1;
	v22 =	vmul.f32 v41, v60;
	v27 =	vmul.f32 v37, v27;
	v25 =	vadd.f32 v25, v26  }
0x103: {  	v34 =	vld [tilespmem:s24+$0xD0];
	s1 =	sshll.u32 s1, $0x7;
	s0 =	simm.s32 @!p1 $0x0;
	v13 =	vadd.f32 v24, v13;
	v28 =	vadd.f32 v28, v29;
	v24 =	vmul.f32 v38, v61  }
0x104: {  	v16 =	vadd.f32 v16, v14;
	v41 =	vld [tilespmem:s24+$0x30];
	s1 =	sshra.s32 s1, $0x2;
	s0 =	sadd.s32 s0, s26;
	v20 =	vmul.f32 v63, v58;
	v19 =	vmul.f32 v36, v19  }
0x105: {  	v15 =	vadd.f32 v15, v17;
	v53 =	vld [tilespmem:s1+$0x6C0];
	s0 =	sshll.u32 s0, $0x7;
	v54 =	vperm.xlane v25, v0;
	v46 =	vperm.xlane v28, v0  }
0x106: {  	s10 =	sadd.s32 s10, s26;
	v38 =	vld [tilespmem:s24+$0xB0];
	v24 =	vadd.f32 v24, v27;
	s0 =	sshra.s32 s0, $0x2;
	v27 =	vmul.f32 v45, v48;
	v19 =	vadd.f32 v19, v20  }
0x107: {  	s31 =	sshll.u32 s10, $0x7;
	v23 =	vmul.f32 v43, v23;
	v49 =	vld [tilespmem:s0+$0x6D0];
	v21 =	vmul.f32 v44, v59;
	v25 =	vadd.f32 v54, v25  }
0x108: {  	s31 =	sshra.s32 s31, $0x2;
	v50 =	vld [tilespmem:s0+$0x6C0];
	v59 =	vadd.s32 s28, v4;
	v28 =	vadd.f32 v46, v28;
	v55 =	vperm.xlane v24, v0  }
0x109: {  	v48 =	vld [tilespmem:s31+$0x6C0];
	v22 =	vadd.f32 v22, v27;
	v58 =	vperm.xlane v19, v0;
	vm4 =	vgt.s32 v59, $0x19  }
0x10a: {  	v44 =	vld [tilespmem:s29+$0x6C0];
	v21 =	vadd.f32 v23, v21;
	v61 =	vsel vm4, $0x1, v5;
	v23 =	vmul.f32 v42, v41  }
0x10b: {  	s10 =	sadd.s32 $0xC, s28;
	v27 =	vld [tilespmem:s24+$0x20];
	v12 =	vmul.f32 v12, v38;
	v28 =	vsel vm0, v28, v30;
	v24 =	vadd.f32 v55, v24  }
0x10c: {  	p1 =	sgt.s32 s10, $0x19;
	s0 =	simm.s32 $0x1;
	v59 =	vld [tilespmem:s24+$0xA0];
	v19 =	vadd.f32 v58, v19;
	v62 =	vperm.xlane v22, v0;
	v52 =	vperm.xlane v28, v1  }
0x10d: {  	v43 =	vld [tilespmem:s24+$0xF0];
	s0 =	simm.s32 @!p1 $0x0;
	v32 =	vadd.s32 s26, v61;
	v26 =	vmul.f32 v49, v47;
	v29 =	vmul.f32 v50, v51  }
0x10e: {  	s0 =	sadd.s32 s0, s26;
	v30 =	vld [tilespmem:s24+$0xC0];
	v60 =	vperm.xlane v21, v0;
	v24 =	vsel vm0, v25, v24;
	v22 =	vadd.f32 v62, v22  }
0x10f: {  	s0 =	sshll.u32 s0, $0x7;
	v50 =	vld [tilespmem:s31+$0x6D0];
	v51 =	vperm.xlane v15, v0;
	v28 =	vadd.f32 v52, v28;
	v40 =	vadd.f32 v26, v29  }
0x110: {  	s0 =	sshra.s32 s0, $0x2;
	v25 =	vld [tilespmem:s24+$0xE0];
	v63 =	vperm.xlane v24, v1;
	v21 =	vadd.f32 v60, v21;
	v27 =	vmul.f32 v44, v27  }
0x111: {  	s30 =	smov.u32 s25;
	v55 =	vld [tilespmem:s0+$0x6D0];
	v11 =	vmul.f32 v11, v59;
	v15 =	vadd.f32 v51, v15;
	v14 =	vperm.xlane v40, v0  }
0x112: {  	s29 =	sshra.s32 s30, $0x2;
	v46 =	vperm.xlane v16, v0;
	v52 =	vld [tilespmem:s1+$0x6D0];
	v24 =	vadd.f32 v63, v24;
	v23 =	vadd.f32 v23, v27  }
0x113: {  	v45 =	vsel vm0, v21, v22;
	v11 =	vadd.f32 v12, v11;
	v18 =	vadd.f32 v14, v40;
	v14 =	vld [tilespmem:s29+$0x40]  }
0x114: {  	v32 =	vld.idx.msk [tilespmem:v32+s3+$0x0], $0xffff;
	v22 =	vperm.xlane v45, v1;
	v13 =	vsel vm0, v15, v13;
	v60 =	vmul.f32 v50, v43  }
0x115: {  	v58 =	vld [tilespmem:s0+$0x6C0];
	v47 =	vsel vm1, v24, v28;
	v61 =	vperm.xlane v13, v1;
	v24 =	vmul.f32 v48, v25  }
0x116: {  	v16 =	vadd.f32 v46, v16;
	v63 =	vld [tilespmem:s24+$0x80];
	v10 =	vmul.f32 v55, v10;
	v44 =	vperm.xlane v23, v0  }
0x117: {  	v51 =	vperm.xlane v11, v0;
	v20 =	vadd.f32 v22, v45;
	v49 =	vperm.xlane v47, v2  }
0x118: {  	v33 =	vmul.f32 v52, v34;
	v21 =	vadd.f32 v60, v24;
	v57 =	vcvt.s32.f32 v14  }
0x119: {  	v13 =	vadd.f32 v61, v13;
	v11 =	vadd.f32 v51, v11;
	v56 =	vcvt.s32.f32 v32  }
0x11a: {  	v16 =	vsel vm0, v16, v18;
	v18 =	vmul.f32 v53, v30;
	v37 =	vadd.f32 $5.000000000e-01, v57  }
0x11b: {  	v42 =	vmul.f32 v58, v63;
	v54 =	vperm.xlane v16, v1;
	v62 =	vadd.f32 $5.000000000e-01, v56  }
0x11c: {  	v17 =	vadd.f32 v49, v47;
	v47 =	vperm.xlane v21, v0;
	v41 =	vmul.f32 $3.999999900e-04, v37  }
0x11d: {  	v43 =	vadd.f32 v33, v18;
	v15 =	vadd.f32 v54, v16;
	v39 =	vmul.f32 $3.999999900e-04, v62  }
0x11e: {  	v10 =	vadd.f32 v10, v42;
	v18 =	vadd.f32 v44, v23;
	v22 =	vtrunc.f32 v41  }
0x11f: {  	v15 =	vsel vm1, v20, v15;
	v20 =	vtrunc.f32 v39;
	v22 =	vcvt.f32.s32 v22  }
0x120: {  	v48 =	vadd.f32 v47, v21;
	v46 =	vperm.xlane v43, v0;
	v20 =	vcvt.f32.s32 v20  }
0x121: {  	v18 =	vsel vm0, v19, v18;
	v49 =	vperm.xlane v10, v0;
	v52 =	vmul.u32 $0xFFFFF63C, v22  }
0x122: {  	v50 =	vperm.xlane v18, v1;
	v40 =	vperm.xlane v15, v2;
	v45 =	vmul.u32 $0xFFFFF63C, v20  }
0x123: {  	v16 =	vadd.f32 v46, v43;
	v10 =	vadd.f32 v49, v10;
	v53 =	vadd.s32 v14, v52  }
0x124: {  	v18 =	vadd.f32 v50, v18;
	v26 =	vadd.s32 v32, v45;
	v54 =	vcvt.s32.f32 v53  }
0x125: {  	v15 =	vadd.f32 v40, v15;
	v10 =	vsel vm0, v10, v11;
	v12 =	vcvt.s32.f32 v26  }
0x126: {  	v16 =	vsel vm0, v16, v48;
	v55 =	vperm.xlane v10, v1;
	v56 =	vadd.f32 $5.000000000e-01, v54  }
0x127: {  	v57 =	vperm.xlane v16, v1;
	v15 =	vsel vm2, v17, v15;
	v12 =	vadd.f32 $5.000000000e-01, v12  }
0x128: {  	v13 =	vsel vm1, v18, v13;
	v58 =	vperm.xlane v15, v3;
	v17 =	vmul.f32 $1.999999960e-02, v56  }
0x129: {  	v21 =	vadd.f32 v55, v10;
	v16 =	vadd.f32 v57, v16;
	v12 =	vmul.f32 $1.999999960e-02, v12  }
0x12a: {  	v11 =	vperm.xlane v13, v2;
	v10 =	vadd.f32 v58, v15;
	v15 =	vtrunc.f32 v17  }
0x12b: {  	v16 =	vsel vm1, v21, v16;
	v12 =	vtrunc.f32 v12;
	v15 =	vcvt.f32.s32 v15  }
0x12c: {  	v60 =	vperm.xlane v16, v2;
	v12 =	vcvt.f32.s32 v12  }
0x12d: {  	v11 =	vadd.f32 v11, v13;
	v19 =	vsub.s32 v26, v53;
	v61 =	vmul.u32 $0x32, v15  }
0x12e: {  	v13 =	vmul.u32 $0xFFFFFFCE, v12;
	v12 =	vsub.s32 v12, v15;
	v15 =	vadd.f32 v60, v16  }
0x12f: {  	p0 =	sne.s32 s25, $0x19C0;
	v59 =	vsub.s32 v20, v22;
	v12 =	vmul.u32 v12, v12;
	v62 =	vadd.s32 v61, v19  }
.Ltmp0:
0x130: {  	v11 =	vsel vm2, v11, v15;
	v15 =	vmul.u32 v59, v59;
	v13 =	vadd.s32 v13, v62;
	(pc) =	sbr.rel @p0 .LBB2_3-.Ltmp0, $4  }
0x131: {  	s31 =	sadd.s32 $0x10, s28;
	v63 =	vperm.xlane v11, v3;
	v13 =	vmul.u32 v13, v13  }
0x132: {  	s2 =	simm.s32 $0x1;
	s0 =	rddreg [dreg:$0x4];
	p1 =	sgt.s32 s31, $0x19;
	v15 =	vadd.s32 v15, v12  }
0x133: {  	s2 =	simm.s32 @!p1 $0x0;
	s0 =	simm.s32 @!p1 $0x0;
	v12 =	vadd.f32 v63, v11;
	v11 =	vadd.s32 v13, v15  }
0x134: {  	s25 =	sadd.s32 $0x40, s25;
	s26 =	sadd.s32 s2, s26;
	s28 =	sadd.s32 s31, s0;
	vm4 =	vgt.s32 v14, $0xFFFFFFFF;
	v11 =	vcvt.s32.f32 v11  }
0x135: {  	v10 =	vsel vm3, v10, v12  }
0x136: {  	vm6 =	vge.f32 v8, v11;
	vm7 =	vge.f32 v10, v9  }
0x137: {  	s0 =	sshll.u32 s23, $0x6;
	vm5 =	vge.f32 v7, v11;
	vm8 =	vlt.f32 v7, v11;
	vm6 =	vmand vm6, vm7  }
0x138: {  	s0 =	sadd.s32 s8, s0;
	v10 =	vnsel vm4, $0x0, v10;
	vm5 =	vmand vm4, vm5;
	vm6 =	vmand vm6, vm8  }
0x139: {  	s0 =	smul.u32 $0x1A, s0;
	[tilespmem:s29+$0xF250] =	vst v10;
	v11 =	vsel vm5, $0x3F800000, v6;
	vm5 =	vmxor vm4, vm5;
	vm6 =	vmand vm4, vm6  }
0x13a: {  	[tilespmem:s29+$0xDED0] =	vst v11;
	vm4 =	vmxor vm5, vm6;
	v11 =	vsel vm6, $0x3F800000, v6  }
0x13b: {  	s1 =	rddreg [dreg:$0x2];
	s0 =	sshrl.u32 s0, $0x3;
	[tilespmem:s29+$0xE550] =	vst v11;
	v10 =	vsel vm4, $0x3F800000, v6  }
0x13c: {  	s0 =	sadd.s32 s1, s0;
	[tilespmem:s29+$0xEBD0] =	vst v10  }
0x13d: {  	[hbm4b:s0+s3] =	stream.linear.scatter [tilespmem:s19], [sflag:$0x2], $0x680, $0x38;
	[tilespmem:$0xF8D0] =	vst v63  }
0x13e: {  	_ =	swait.ge [sflag:s12], $0x680  }
0x13f: {  	[sflag:s12] =	ssyncset.done $0x0  }
0x140: {  	s1 =	sadd.s32 $0x1A000, s0;
	[sflag:s12] =	ssyncadd.s32 $0xFFFFF980  }
0x141: {  	[hbm4b:s1+s3] =	stream.linear.scatter [tilespmem:s20], [sflag:$0x2], $0x680, $0x38;
	[tilespmem:$0xF8D0] =	vst v63  }
0x142: {  	_ =	swait.ge [sflag:s12], $0x680  }
0x143: {  	[sflag:s12] =	ssyncset.done $0x0  }
0x144: {  	s31 =	sadd.s32 $0x34000, s0;
	[sflag:s12] =	ssyncadd.s32 $0xFFFFF980  }
0x145: {  	[hbm4b:s31+s3] =	stream.linear.scatter [tilespmem:s21], [sflag:$0x2], $0x680, $0x38;
	[tilespmem:$0xF8D0] =	vst v63  }
0x146: {  	s23 =	sadd.s32 $0x1, s23;
	_ =	swait.ge [sflag:s12], $0x680  }
0x147: {  	p0 =	sne.s32 s23, $0x10;
	[sflag:s12] =	ssyncset.done $0x0  }
.Ltmp1:
0x148: {  	s0 =	sadd.s32 $0x4E000, s0;
	[sflag:s12] =	ssyncadd.s32 $0xFFFFF980;
	(pc) =	sbr.rel @p0 .LBB2_2-.Ltmp1, $4  }
0x149: {  	[hbm4b:s0+s3] =	stream.linear.scatter [tilespmem:s22], [sflag:$0x2], $0x680, $0x38;
	[tilespmem:$0xF8D0] =	vst v63  }
0x14a: {  	_ =	swait.ge [sflag:s12], $0x680  }
0x14b: {  	[sflag:s12] =	ssyncset.done $0x0  }
0x14c: {  	[sflag:s12] =	ssyncadd.s32 $0xFFFFF980  }
0x14d: {  	s1 =	rddreg [dreg:$0x7]  }
0x14e: {  	s0 =	rddreg [dreg:$0x6];
	s1 =	sadd.s32 $0x1, s1  }
0x14f: {  	p0 =	sne.s32 s1, s0  }
.Ltmp2:
0x150: {  	_ = 	snop;
	(pc) =	sbr.rel @p0 .LBB2_1-.Ltmp2, $1  }
0x151: {  	_ =	sdelay $0x3  }
0x152: {  	_ =	sfence.sel $0x180000  }
0x153: {  	[bflag:$0x0] =	sbarrier.arrive $0xFFFF  }
0x154: {  	_ =	strace $0x90000047  }
0x155: {  	s0 =	stileid.u32;
	[bflag:$0x2] =	sbarrier.arrive $0xFFFF  }
0x156: {  	p0 =	sne.s32 s0, $0x0;
	s0 =	rddreg [dreg:$0x3]  }
0x157: {  	s0 =	sadd.s32 @!p0 $0x100000, s0  }
0x158: {  	[sflag:s0] =	ssyncadd.tile.s32 @!p0 $0x1;
	_ =	shalt  }
.Lfunc_end2:
_tile_overlayer_lowered:
.L_overlay_start_2:
0x159: {  	(tag) =	ssettag $0x2  }
0x15a: {  	s0 =	rddreg [dreg:$0x0];
	s2 =	stileid.u32  }
0x15b: {  	s1 =	rddreg [dreg:$0x1];
	p0 =	sne.s32 s2, $0x0  }
0x15c: {  	s3 =	rddreg [dreg:$0x2];
	[bflag:$0x3] =	sbarrier.arrive $0xFFFF;
	s2 =	simm.s32 @!p0 $0x1C02  }
0x15d: {  	[timem:s3], [sflag:s2] =	dma.local @!p0 [hbm:s0], s1  }
0x15e: {  	s0 =	simm.s32 @!p0 $0x2  }
0x15f: {  	_ =	swait.ge @!p0 [sflag:s0], s1  }
0x160: {  	s1 =	ssub.s32 @!p0 $0x0, s1;
	[sflag:s0] =	ssyncset.done @!p0 $0x0  }
0x161: {  	[sflag:s0] =	ssyncadd.s32 @!p0 s1  }
0x162: {  	[bflag:$0x3] =	sbarrier.arrive $0xFFFF  }
0x163: {  	_ =	shalt  }

</sc_bundles>
